<compile_context>
chip_gen: v7x
topology: tpu7x:2x2x1
jax: 0.10.2.dev20260603
libtpu: 0.0.44.dev20260713+nightly
codegen_flags: <defaults>
</compile_context>

<pallas_src>
import functools

import jax
import jax.numpy as jnp
from jax import lax
from jax.experimental import pallas as pl
from jax.experimental.pallas import tpu as pltpu
from jax.experimental.pallas import tpu_sc as plsc

_ROWS = 16


def _fold_table(wte, W, b):

    def body(wte_ref, w_ref, b_ref, out_ref):
        out_ref[...] = lax.dot_general(
            wte_ref[...], w_ref[...],
            (((1,), (1,)), ((), ())),
            preferred_element_type=jnp.float32) + b_ref[...]

    return pl.pallas_call(
        body,
        out_shape=jax.ShapeDtypeStruct(wte.shape, jnp.float32),
    )(wte, W, b.reshape(1, -1))


def _sc_gather(idx, table):
    bsz, seq = idx.shape
    d = table.shape[1]
    info = plsc.get_sparse_core_info()
    nw = info.num_cores * info.num_subcores
    rpw = bsz // nw
    nchunks = rpw // _ROWS

    mesh = plsc.VectorSubcoreMesh(core_axis_name="c", subcore_axis_name="s")

    @functools.partial(
        pl.kernel,
        out_type=jax.ShapeDtypeStruct((bsz, seq, d), jnp.float32),
        mesh=mesh,
        scratch_types=[
            pltpu.VMEM((2, _ROWS, seq), jnp.int32),
            pltpu.VMEM((2, _ROWS, seq, d), jnp.float32),
            pltpu.VMEM_SHARED(table.shape, jnp.float32),
            pltpu.SemaphoreType.DMA,
            pltpu.SemaphoreType.DMA,
            pltpu.SemaphoreType.DMA,
            pltpu.SemaphoreType.DMA,
            pltpu.SemaphoreType.DMA,
            pltpu.SemaphoreType.DMA,
        ],
        compiler_params=pltpu.CompilerParams(use_tc_tiling_on_sc=False),
    )
    def k(idx_hbm, table_hbm, out_hbm, idx_v, rows_v, table_v,
          sem_i0, sem_i1, sem_g0, sem_g1, sem_o0, sem_o1):
        wid = lax.axis_index("s") * info.num_cores + lax.axis_index("c")
        row0 = wid * rpw
        sem_i = (sem_i0, sem_i1)
        sem_g = (sem_g0, sem_g1)
        sem_o = (sem_o0, sem_o1)
        pltpu.sync_copy(table_hbm, table_v)

        def idx_copy(c, buf):
            return pltpu.make_async_copy(
                idx_hbm.at[pl.ds(row0 + c * _ROWS, _ROWS)],
                idx_v.at[buf], sem_i[buf])

        def gathers(buf):
            return [
                pltpu.make_async_copy(table_v.at[idx_v.at[buf, j]],
                                      rows_v.at[buf, j], sem_g[buf])
                for j in range(_ROWS)
            ]

        def out_copy(c, buf):
            return pltpu.make_async_copy(
                rows_v.at[buf], out_hbm.at[pl.ds(row0 + c * _ROWS, _ROWS)],
                sem_o[buf])

        idx_copy(0, 0).start()

        def pair(cc, carry):
            for par in (0, 1):
                c = cc * 2 + par

                @pl.when(c >= 2)
                def _():
                    out_copy(c - 2, par).wait()

                idx_copy(c, par).wait()
                for cp in gathers(par):
                    cp.start()

                @pl.when(c >= 1)
                def _():
                    for cp in gathers(1 - par):
                        cp.wait()
                    out_copy(c - 1, 1 - par).start()

                @pl.when(c + 1 < nchunks)
                def _():
                    idx_copy(c + 1, 1 - par).start()
            return carry

        lax.fori_loop(0, nchunks // 2, pair, 0)

        last = nchunks - 1
        for cp in gathers(last % 2):
            cp.wait()
        out_copy(last - 1, (last - 1) % 2).wait()
        out_copy(last, last % 2).start()
        out_copy(last, last % 2).wait()

    return k(idx, table)


def kernel(x, wte, W, b):
    table2 = _fold_table(wte, W, b)
    return _sc_gather(x.astype(jnp.int32), table2)

# --- scband reference (transcript-rebuilt; emitter-appended) ---
"""Pipeline reference for scband-my-model-17136919511142 (READ-ONLY COPY).

The authoritative reference and input builder live on the scoring server;
editing this copy changes nothing except your own understanding.
"""

import jax, jax.numpy as jnp
import numpy as np


def setup_inputs(seed: int = 0) -> dict:
    key = jax.random.key(seed)
    k_x, k_wte, k_w, k_b = jax.random.split(key, 4)
    x = jax.random.randint(k_x, (16384, 200), 0, 1024, dtype=jnp.int64 if jax.config.jax_enable_x64 else jnp.int32)
    wte = jax.random.normal(k_wte, (1024, 16), dtype=jnp.float32)
    W = jax.random.normal(k_w, (16, 16), dtype=jnp.float32) * (1.0 / np.sqrt(16.0))
    b = jax.random.normal(k_b, (16,), dtype=jnp.float32) * 0.01
    return {"x": x, "wte": wte, "W": W, "b": b}


def reference(x, wte, W, b):
    # embedding lookup: gather rows from the table
    emb = jnp.take(wte, x, axis=0)  # [B, L, 16]
    # linear layer: y = emb @ W^T + b (torch nn.Linear convention)
    out = jnp.einsum('bld,ed->ble', emb, W) + b
    return out

if __name__ == "__main__":
    import jax
    _d = setup_inputs()
    print(jax.jit(kernel)(*tuple(_d.values())))

</pallas_src>

<mosaic_0001>
#map = affine_map<(d0, d1) -> (0, 0)>
#map1 = affine_map<(d0, d1) -> (0, 0, 0)>
module attributes {stable_mosaic.version = 14 : i64} {
  func.func @k(%arg0: i32, %arg1: i32, %arg2: memref<16384x200xi32, #tpu.memory_space<hbm>>, %arg3: memref<1024x16xf32, #tpu.memory_space<hbm>>, %arg4: memref<16384x200x16xf32, #tpu.memory_space<hbm>>, %arg5: memref<2x16x200xi32, #tpu.memory_space<vmem>>, %arg6: memref<2x16x200x16xf32, #tpu.memory_space<vmem>>, %arg7: memref<1024x16xf32, #tpu.memory_space<vmem_shared>>, %arg8: memref<!tpu.dma_semaphore, #tpu.memory_space<semaphore_mem>>, %arg9: memref<!tpu.dma_semaphore, #tpu.memory_space<semaphore_mem>>, %arg10: memref<!tpu.dma_semaphore, #tpu.memory_space<semaphore_mem>>, %arg11: memref<!tpu.dma_semaphore, #tpu.memory_space<semaphore_mem>>, %arg12: memref<!tpu.dma_semaphore, #tpu.memory_space<semaphore_mem>>, %arg13: memref<!tpu.dma_semaphore, #tpu.memory_space<semaphore_mem>>) attributes {dimension_semantics = [#tpu.dimension_semantics<core_parallel>, #tpu.dimension_semantics<subcore_parallel>], iteration_bounds = array<i64: 2, 16>, scalar_prefetch = 0 : i64, scratch_operands = 9 : i64, tpu.core_type = #tpu.core_type<sc_vector_subcore>, window_params = [{transform_indices = #map}, {transform_indices = #map}, {transform_indices = #map1}]} {
    %mul3A = arith.constant 2 : i32
    %mul3A_0 = arith.muli %arg1, %mul3A : i32
    %add3A = arith.addi %mul3A_0, %arg0 : i32
    %mul3A_1 = arith.constant 512 : i32
    %mul3A_2 = arith.muli %add3A, %mul3A_1 : i32
    "tpu.region"() ({
      %run_scoped3A = tpu.sem_alloc : memref<!tpu.dma_semaphore, #tpu.memory_space<semaphore_mem>>
      tpu.enqueue_dma source(%arg3 : memref<1024x16xf32, #tpu.memory_space<hbm>>) target(%arg7 : memref<1024x16xf32, #tpu.memory_space<vmem_shared>>) target_semaphore(%run_scoped3A : memref<!tpu.dma_semaphore, #tpu.memory_space<semaphore_mem>>)
      tpu.wait_dma2 semaphore(%run_scoped3A : memref<!tpu.dma_semaphore, #tpu.memory_space<semaphore_mem>>) src(%arg3 : memref<1024x16xf32, #tpu.memory_space<hbm>>) dst(%arg7 : memref<1024x16xf32, #tpu.memory_space<vmem_shared>>)
      tpu.yield
    }) : () -> ()
    %add3A_3 = arith.constant 0 : i32
    %add3A_4 = arith.addi %mul3A_2, %add3A_3 : i32
    %dma_start3A = arith.constant 0 : i32
    %dma_start3A_5 = arith.constant 0 : i32
    %dma_start3A_6 = arith.constant 0 : i32
    %dma_start3A_7 = tpu.memref_slice %arg5[%dma_start3A, %dma_start3A_5, %dma_start3A_6] : memref<2x16x200xi32, #tpu.memory_space<vmem>> -> memref<1x16x200xi32, #tpu.memory_space<vmem>>
    %dma_start3A_8 = tpu.memref_squeeze %dma_start3A_7 : memref<1x16x200xi32, #tpu.memory_space<vmem>> -> memref<16x200xi32, #tpu.memory_space<vmem>>
    %dma_start3A_9 = arith.constant 0 : i32
    %dma_start3A_10 = tpu.memref_slice %arg2[%add3A_4, %dma_start3A_9] : memref<16384x200xi32, #tpu.memory_space<hbm>> -> memref<16x200xi32, #tpu.memory_space<hbm>>
    %dma_start3A_11 = arith.constant 0 : i32
    %dma_start3A_12 = arith.constant 0 : i32
    %dma_start3A_13 = tpu.memref_slice %arg5[%dma_start3A, %dma_start3A_11, %dma_start3A_12] : memref<2x16x200xi32, #tpu.memory_space<vmem>> -> memref<1x16x200xi32, #tpu.memory_space<vmem>>
    %dma_start3A_14 = tpu.memref_squeeze %dma_start3A_13 : memref<1x16x200xi32, #tpu.memory_space<vmem>> -> memref<16x200xi32, #tpu.memory_space<vmem>>
    %dma_start3A_15 = arith.constant 0 : i32
    %dma_start3A_16 = tpu.memref_slice %arg2[%add3A_4, %dma_start3A_15] : memref<16384x200xi32, #tpu.memory_space<hbm>> -> memref<16x200xi32, #tpu.memory_space<hbm>>
    tpu.enqueue_dma source(%dma_start3A_16 : memref<16x200xi32, #tpu.memory_space<hbm>>) target(%dma_start3A_14 : memref<16x200xi32, #tpu.memory_space<vmem>>) target_semaphore(%arg8 : memref<!tpu.dma_semaphore, #tpu.memory_space<semaphore_mem>>)
    %scan3A = arith.constant 0 : i32
    %scan3A_17 = arith.constant 0 : i32
    %scan3A_18 = arith.constant 16 : i32
    %scan3A_19 = arith.addi %scan3A_17, %scan3A_18 : i32
    %scan3A_20 = arith.constant 1 : i32
    scf.for %scan3A_302 = %scan3A_17 to %scan3A_19 step %scan3A_20  : i32 {
      %mul3A_303 = arith.constant 2 : i32
      %mul3A_304 = arith.muli %scan3A_302, %mul3A_303 : i32
      %add3A_305 = arith.constant 0 : i32
      %add3A_306 = arith.addi %mul3A_304, %add3A_305 : i32
      %ge3A = arith.constant 2 : i32
      %ge3A_307 = arith.cmpi sge, %add3A_306, %ge3A : i32
      %convert_element_type3A = arith.extui %ge3A_307 : i1 to i32
      %cond3A = arith.constant 0 : i32
      %cond3A_308 = arith.cmpi ne, %convert_element_type3A, %cond3A : i32
      scf.if %cond3A_308 {
        %sub3A = arith.constant 2 : i32
        %sub3A_821 = arith.subi %add3A_306, %sub3A : i32
        %mul3A_822 = arith.constant 16 : i32
        %mul3A_823 = arith.muli %sub3A_821, %mul3A_822 : i32
        %add3A_824 = arith.addi %mul3A_2, %mul3A_823 : i32
        %dma_wait3A_825 = arith.constant 0 : i32
        %dma_wait3A_826 = arith.constant 0 : i32
        %dma_wait3A_827 = arith.constant 0 : i32
        %dma_wait3A_828 = arith.constant 0 : i32
        %dma_wait3A_829 = tpu.memref_slice %arg6[%dma_wait3A_825, %dma_wait3A_826, %dma_wait3A_827, %dma_wait3A_828] : memref<2x16x200x16xf32, #tpu.memory_space<vmem>> -> memref<1x16x200x16xf32, #tpu.memory_space<vmem>>
        %dma_wait3A_830 = tpu.memref_squeeze %dma_wait3A_829 : memref<1x16x200x16xf32, #tpu.memory_space<vmem>> -> memref<16x200x16xf32, #tpu.memory_space<vmem>>
        %dma_wait3A_831 = arith.constant 0 : i32
        %dma_wait3A_832 = arith.constant 0 : i32
        %dma_wait3A_833 = tpu.memref_slice %arg4[%add3A_824, %dma_wait3A_831, %dma_wait3A_832] : memref<16384x200x16xf32, #tpu.memory_space<hbm>> -> memref<16x200x16xf32, #tpu.memory_space<hbm>>
        %dma_wait3A_834 = arith.constant 0 : i32
        %dma_wait3A_835 = arith.constant 0 : i32
        %dma_wait3A_836 = tpu.memref_slice %arg4[%add3A_824, %dma_wait3A_834, %dma_wait3A_835] : memref<16384x200x16xf32, #tpu.memory_space<hbm>> -> memref<16x200x16xf32, #tpu.memory_space<hbm>>
        %dma_wait3A_837 = arith.constant 0 : i32
        %dma_wait3A_838 = arith.constant 0 : i32
        %dma_wait3A_839 = arith.constant 0 : i32
        %dma_wait3A_840 = tpu.memref_slice %arg6[%dma_wait3A_825, %dma_wait3A_837, %dma_wait3A_838, %dma_wait3A_839] : memref<2x16x200x16xf32, #tpu.memory_space<vmem>> -> memref<1x16x200x16xf32, #tpu.memory_space<vmem>>
        %dma_wait3A_841 = tpu.memref_squeeze %dma_wait3A_840 : memref<1x16x200x16xf32, #tpu.memory_space<vmem>> -> memref<16x200x16xf32, #tpu.memory_space<vmem>>
        tpu.wait_dma2 semaphore(%arg12 : memref<!tpu.dma_semaphore, #tpu.memory_space<semaphore_mem>>) src(%dma_wait3A_841 : memref<16x200x16xf32, #tpu.memory_space<vmem>>) dst(%dma_wait3A_836 : memref<16x200x16xf32, #tpu.memory_space<hbm>>)
      } else {
      }
      %mul3A_309 = arith.constant 16 : i32
      %mul3A_310 = arith.muli %add3A_306, %mul3A_309 : i32
      %add3A_311 = arith.addi %mul3A_2, %mul3A_310 : i32
      %dma_wait3A_312 = arith.constant 0 : i32
      %dma_wait3A_313 = arith.constant 0 : i32
      %dma_wait3A_314 = arith.constant 0 : i32
      %dma_wait3A_315 = tpu.memref_slice %arg5[%dma_wait3A_312, %dma_wait3A_313, %dma_wait3A_314] : memref<2x16x200xi32, #tpu.memory_space<vmem>> -> memref<1x16x200xi32, #tpu.memory_space<vmem>>
      %dma_wait3A_316 = tpu.memref_squeeze %dma_wait3A_315 : memref<1x16x200xi32, #tpu.memory_space<vmem>> -> memref<16x200xi32, #tpu.memory_space<vmem>>
      %dma_wait3A_317 = arith.constant 0 : i32
      %dma_wait3A_318 = tpu.memref_slice %arg2[%add3A_311, %dma_wait3A_317] : memref<16384x200xi32, #tpu.memory_space<hbm>> -> memref<16x200xi32, #tpu.memory_space<hbm>>
      %dma_wait3A_319 = arith.constant 0 : i32
      %dma_wait3A_320 = arith.constant 0 : i32
      %dma_wait3A_321 = tpu.memref_slice %arg5[%dma_wait3A_312, %dma_wait3A_319, %dma_wait3A_320] : memref<2x16x200xi32, #tpu.memory_space<vmem>> -> memref<1x16x200xi32, #tpu.memory_space<vmem>>
      %dma_wait3A_322 = tpu.memref_squeeze %dma_wait3A_321 : memref<1x16x200xi32, #tpu.memory_space<vmem>> -> memref<16x200xi32, #tpu.memory_space<vmem>>
      %dma_wait3A_323 = arith.constant 0 : i32
      %dma_wait3A_324 = tpu.memref_slice %arg2[%add3A_311, %dma_wait3A_323] : memref<16384x200xi32, #tpu.memory_space<hbm>> -> memref<16x200xi32, #tpu.memory_space<hbm>>
      tpu.wait_dma2 semaphore(%arg8 : memref<!tpu.dma_semaphore, #tpu.memory_space<semaphore_mem>>) src(%dma_wait3A_324 : memref<16x200xi32, #tpu.memory_space<hbm>>) dst(%dma_wait3A_322 : memref<16x200xi32, #tpu.memory_space<vmem>>)
      %dma_start3A_325 = arith.constant 0 : i32
      %dma_start3A_326 = arith.constant 0 : i32
      %dma_start3A_327 = arith.constant 0 : i32
      %dma_start3A_328 = arith.constant 0 : i32
      %dma_start3A_329 = arith.constant 0 : i32
      %dma_start3A_330 = arith.constant 0 : i32
      %dma_start3A_331 = tpu.memref_slice %arg6[%dma_start3A_327, %dma_start3A_328, %dma_start3A_329, %dma_start3A_330] : memref<2x16x200x16xf32, #tpu.memory_space<vmem>> -> memref<1x1x200x16xf32, #tpu.memory_space<vmem>>
      %dma_start3A_332 = tpu.memref_squeeze %dma_start3A_331 : memref<1x1x200x16xf32, #tpu.memory_space<vmem>> -> memref<200x16xf32, #tpu.memory_space<vmem>>
      %dma_start3A_333 = arith.constant 0 : i32
      %dma_start3A_334 = tpu.memref_slice %arg5[%dma_start3A_325, %dma_start3A_326, %dma_start3A_333] : memref<2x16x200xi32, #tpu.memory_space<vmem>> -> memref<1x1x200xi32, #tpu.memory_space<vmem>>
      %dma_start3A_335 = tpu.memref_squeeze %dma_start3A_334 : memref<1x1x200xi32, #tpu.memory_space<vmem>> -> memref<200xi32, #tpu.memory_space<vmem>>
      %dma_start3A_336 = arith.constant 0 : i32
      %dma_start3A_337 = arith.constant 0 : i32
      %dma_start3A_338 = tpu.memref_slice %arg7[%dma_start3A_336, %dma_start3A_337] : memref<1024x16xf32, #tpu.memory_space<vmem_shared>> -> memref<1024x16xf32, #tpu.memory_space<vmem_shared>>
      tpu.enqueue_indirect_dma source(%dma_start3A_338 : memref<1024x16xf32, #tpu.memory_space<vmem_shared>>) target(%dma_start3A_332 : memref<200x16xf32, #tpu.memory_space<vmem>>) offsets(%dma_start3A_335 : memref<200xi32, #tpu.memory_space<vmem>>) semaphore(%arg10 : memref<!tpu.dma_semaphore, #tpu.memory_space<semaphore_mem>>)
      %dma_start3A_339 = arith.constant 0 : i32
      %dma_start3A_340 = arith.constant 1 : i32
      %dma_start3A_341 = arith.constant 0 : i32
      %dma_start3A_342 = arith.constant 1 : i32
      %dma_start3A_343 = arith.constant 0 : i32
      %dma_start3A_344 = arith.constant 0 : i32
      %dma_start3A_345 = tpu.memref_slice %arg6[%dma_start3A_341, %dma_start3A_342, %dma_start3A_343, %dma_start3A_344] : memref<2x16x200x16xf32, #tpu.memory_space<vmem>> -> memref<1x1x200x16xf32, #tpu.memory_space<vmem>>
      %dma_start3A_346 = tpu.memref_squeeze %dma_start3A_345 : memref<1x1x200x16xf32, #tpu.memory_space<vmem>> -> memref<200x16xf32, #tpu.memory_space<vmem>>
      %dma_start3A_347 = arith.constant 0 : i32
      %dma_start3A_348 = tpu.memref_slice %arg5[%dma_start3A_339, %dma_start3A_340, %dma_start3A_347] : memref<2x16x200xi32, #tpu.memory_space<vmem>> -> memref<1x1x200xi32, #tpu.memory_space<vmem>>
      %dma_start3A_349 = tpu.memref_squeeze %dma_start3A_348 : memref<1x1x200xi32, #tpu.memory_space<vmem>> -> memref<200xi32, #tpu.memory_space<vmem>>
      %dma_start3A_350 = arith.constant 0 : i32
      %dma_start3A_351 = arith.constant 0 : i32
      %dma_start3A_352 = tpu.memref_slice %arg7[%dma_start3A_350, %dma_start3A_351] : memref<1024x16xf32, #tpu.memory_space<vmem_shared>> -> memref<1024x16xf32, #tpu.memory_space<vmem_shared>>
      tpu.enqueue_indirect_dma source(%dma_start3A_352 : memref<1024x16xf32, #tpu.memory_space<vmem_shared>>) target(%dma_start3A_346 : memref<200x16xf32, #tpu.memory_space<vmem>>) offsets(%dma_start3A_349 : memref<200xi32, #tpu.memory_space<vmem>>) semaphore(%arg10 : memref<!tpu.dma_semaphore, #tpu.memory_space<semaphore_mem>>)
      %dma_start3A_353 = arith.constant 0 : i32
      %dma_start3A_354 = arith.constant 2 : i32
      %dma_start3A_355 = arith.constant 0 : i32
      %dma_start3A_356 = arith.constant 2 : i32
      %dma_start3A_357 = arith.constant 0 : i32
      %dma_start3A_358 = arith.constant 0 : i32
      %dma_start3A_359 = tpu.memref_slice %arg6[%dma_start3A_355, %dma_start3A_356, %dma_start3A_357, %dma_start3A_358] : memref<2x16x200x16xf32, #tpu.memory_space<vmem>> -> memref<1x1x200x16xf32, #tpu.memory_space<vmem>>
      %dma_start3A_360 = tpu.memref_squeeze %dma_start3A_359 : memref<1x1x200x16xf32, #tpu.memory_space<vmem>> -> memref<200x16xf32, #tpu.memory_space<vmem>>
      %dma_start3A_361 = arith.constant 0 : i32
      %dma_start3A_362 = tpu.memref_slice %arg5[%dma_start3A_353, %dma_start3A_354, %dma_start3A_361] : memref<2x16x200xi32, #tpu.memory_space<vmem>> -> memref<1x1x200xi32, #tpu.memory_space<vmem>>
      %dma_start3A_363 = tpu.memref_squeeze %dma_start3A_362 : memref<1x1x200xi32, #tpu.memory_space<vmem>> -> memref<200xi32, #tpu.memory_space<vmem>>
      %dma_start3A_364 = arith.constant 0 : i32
      %dma_start3A_365 = arith.constant 0 : i32
      %dma_start3A_366 = tpu.memref_slice %arg7[%dma_start3A_364, %dma_start3A_365] : memref<1024x16xf32, #tpu.memory_space<vmem_shared>> -> memref<1024x16xf32, #tpu.memory_space<vmem_shared>>
      tpu.enqueue_indirect_dma source(%dma_start3A_366 : memref<1024x16xf32, #tpu.memory_space<vmem_shared>>) target(%dma_start3A_360 : memref<200x16xf32, #tpu.memory_space<vmem>>) offsets(%dma_start3A_363 : memref<200xi32, #tpu.memory_space<vmem>>) semaphore(%arg10 : memref<!tpu.dma_semaphore, #tpu.memory_space<semaphore_mem>>)
      %dma_start3A_367 = arith.constant 0 : i32
      %dma_start3A_368 = arith.constant 3 : i32
      %dma_start3A_369 = arith.constant 0 : i32
      %dma_start3A_370 = arith.constant 3 : i32
      %dma_start3A_371 = arith.constant 0 : i32
      %dma_start3A_372 = arith.constant 0 : i32
      %dma_start3A_373 = tpu.memref_slice %arg6[%dma_start3A_369, %dma_start3A_370, %dma_start3A_371, %dma_start3A_372] : memref<2x16x200x16xf32, #tpu.memory_space<vmem>> -> memref<1x1x200x16xf32, #tpu.memory_space<vmem>>
      %dma_start3A_374 = tpu.memref_squeeze %dma_start3A_373 : memref<1x1x200x16xf32, #tpu.memory_space<vmem>> -> memref<200x16xf32, #tpu.memory_space<vmem>>
      %dma_start3A_375 = arith.constant 0 : i32
      %dma_start3A_376 = tpu.memref_slice %arg5[%dma_start3A_367, %dma_start3A_368, %dma_start3A_375] : memref<2x16x200xi32, #tpu.memory_space<vmem>> -> memref<1x1x200xi32, #tpu.memory_space<vmem>>
      %dma_start3A_377 = tpu.memref_squeeze %dma_start3A_376 : memref<1x1x200xi32, #tpu.memory_space<vmem>> -> memref<200xi32, #tpu.memory_space<vmem>>
      %dma_start3A_378 = arith.constant 0 : i32
      %dma_start3A_379 = arith.constant 0 : i32
      %dma_start3A_380 = tpu.memref_slice %arg7[%dma_start3A_378, %dma_start3A_379] : memref<1024x16xf32, #tpu.memory_space<vmem_shared>> -> memref<1024x16xf32, #tpu.memory_space<vmem_shared>>
      tpu.enqueue_indirect_dma source(%dma_start3A_380 : memref<1024x16xf32, #tpu.memory_space<vmem_shared>>) target(%dma_start3A_374 : memref<200x16xf32, #tpu.memory_space<vmem>>) offsets(%dma_start3A_377 : memref<200xi32, #tpu.memory_space<vmem>>) semaphore(%arg10 : memref<!tpu.dma_semaphore, #tpu.memory_space<semaphore_mem>>)
      %dma_start3A_381 = arith.constant 0 : i32
      %dma_start3A_382 = arith.constant 4 : i32
      %dma_start3A_383 = arith.constant 0 : i32
      %dma_start3A_384 = arith.constant 4 : i32
      %dma_start3A_385 = arith.constant 0 : i32
      %dma_start3A_386 = arith.constant 0 : i32
      %dma_start3A_387 = tpu.memref_slice %arg6[%dma_start3A_383, %dma_start3A_384, %dma_start3A_385, %dma_start3A_386] : memref<2x16x200x16xf32, #tpu.memory_space<vmem>> -> memref<1x1x200x16xf32, #tpu.memory_space<vmem>>
      %dma_start3A_388 = tpu.memref_squeeze %dma_start3A_387 : memref<1x1x200x16xf32, #tpu.memory_space<vmem>> -> memref<200x16xf32, #tpu.memory_space<vmem>>
      %dma_start3A_389 = arith.constant 0 : i32
      %dma_start3A_390 = tpu.memref_slice %arg5[%dma_start3A_381, %dma_start3A_382, %dma_start3A_389] : memref<2x16x200xi32, #tpu.memory_space<vmem>> -> memref<1x1x200xi32, #tpu.memory_space<vmem>>
      %dma_start3A_391 = tpu.memref_squeeze %dma_start3A_390 : memref<1x1x200xi32, #tpu.memory_space<vmem>> -> memref<200xi32, #tpu.memory_space<vmem>>
      %dma_start3A_392 = arith.constant 0 : i32
      %dma_start3A_393 = arith.constant 0 : i32
      %dma_start3A_394 = tpu.memref_slice %arg7[%dma_start3A_392, %dma_start3A_393] : memref<1024x16xf32, #tpu.memory_space<vmem_shared>> -> memref<1024x16xf32, #tpu.memory_space<vmem_shared>>
      tpu.enqueue_indirect_dma source(%dma_start3A_394 : memref<1024x16xf32, #tpu.memory_space<vmem_shared>>) target(%dma_start3A_388 : memref<200x16xf32, #tpu.memory_space<vmem>>) offsets(%dma_start3A_391 : memref<200xi32, #tpu.memory_space<vmem>>) semaphore(%arg10 : memref<!tpu.dma_semaphore, #tpu.memory_space<semaphore_mem>>)
      %dma_start3A_395 = arith.constant 0 : i32
      %dma_start3A_396 = arith.constant 5 : i32
      %dma_start3A_397 = arith.constant 0 : i32
      %dma_start3A_398 = arith.constant 5 : i32
      %dma_start3A_399 = arith.constant 0 : i32
      %dma_start3A_400 = arith.constant 0 : i32
      %dma_start3A_401 = tpu.memref_slice %arg6[%dma_start3A_397, %dma_start3A_398, %dma_start3A_399, %dma_start3A_400] : memref<2x16x200x16xf32, #tpu.memory_space<vmem>> -> memref<1x1x200x16xf32, #tpu.memory_space<vmem>>
      %dma_start3A_402 = tpu.memref_squeeze %dma_start3A_401 : memref<1x1x200x16xf32, #tpu.memory_space<vmem>> -> memref<200x16xf32, #tpu.memory_space<vmem>>
      %dma_start3A_403 = arith.constant 0 : i32
      %dma_start3A_404 = tpu.memref_slice %arg5[%dma_start3A_395, %dma_start3A_396, %dma_start3A_403] : memref<2x16x200xi32, #tpu.memory_space<vmem>> -> memref<1x1x200xi32, #tpu.memory_space<vmem>>
      %dma_start3A_405 = tpu.memref_squeeze %dma_start3A_404 : memref<1x1x200xi32, #tpu.memory_space<vmem>> -> memref<200xi32, #tpu.memory_space<vmem>>
      %dma_start3A_406 = arith.constant 0 : i32
      %dma_start3A_407 = arith.constant 0 : i32
      %dma_start3A_408 = tpu.memref_slice %arg7[%dma_start3A_406, %dma_start3A_407] : memref<1024x16xf32, #tpu.memory_space<vmem_shared>> -> memref<1024x16xf32, #tpu.memory_space<vmem_shared>>
      tpu.enqueue_indirect_dma source(%dma_start3A_408 : memref<1024x16xf32, #tpu.memory_space<vmem_shared>>) target(%dma_start3A_402 : memref<200x16xf32, #tpu.memory_space<vmem>>) offsets(%dma_start3A_405 : memref<200xi32, #tpu.memory_space<vmem>>) semaphore(%arg10 : memref<!tpu.dma_semaphore, #tpu.memory_space<semaphore_mem>>)
      %dma_start3A_409 = arith.constant 0 : i32
      %dma_start3A_410 = arith.constant 6 : i32
      %dma_start3A_411 = arith.constant 0 : i32
      %dma_start3A_412 = arith.constant 6 : i32
      %dma_start3A_413 = arith.constant 0 : i32
      %dma_start3A_414 = arith.constant 0 : i32
      %dma_start3A_415 = tpu.memref_slice %arg6[%dma_start3A_411, %dma_start3A_412, %dma_start3A_413, %dma_start3A_414] : memref<2x16x200x16xf32, #tpu.memory_space<vmem>> -> memref<1x1x200x16xf32, #tpu.memory_space<vmem>>
      %dma_start3A_416 = tpu.memref_squeeze %dma_start3A_415 : memref<1x1x200x16xf32, #tpu.memory_space<vmem>> -> memref<200x16xf32, #tpu.memory_space<vmem>>
      %dma_start3A_417 = arith.constant 0 : i32
      %dma_start3A_418 = tpu.memref_slice %arg5[%dma_start3A_409, %dma_start3A_410, %dma_start3A_417] : memref<2x16x200xi32, #tpu.memory_space<vmem>> -> memref<1x1x200xi32, #tpu.memory_space<vmem>>
      %dma_start3A_419 = tpu.memref_squeeze %dma_start3A_418 : memref<1x1x200xi32, #tpu.memory_space<vmem>> -> memref<200xi32, #tpu.memory_space<vmem>>
      %dma_start3A_420 = arith.constant 0 : i32
      %dma_start3A_421 = arith.constant 0 : i32
      %dma_start3A_422 = tpu.memref_slice %arg7[%dma_start3A_420, %dma_start3A_421] : memref<1024x16xf32, #tpu.memory_space<vmem_shared>> -> memref<1024x16xf32, #tpu.memory_space<vmem_shared>>
      tpu.enqueue_indirect_dma source(%dma_start3A_422 : memref<1024x16xf32, #tpu.memory_space<vmem_shared>>) target(%dma_start3A_416 : memref<200x16xf32, #tpu.memory_space<vmem>>) offsets(%dma_start3A_419 : memref<200xi32, #tpu.memory_space<vmem>>) semaphore(%arg10 : memref<!tpu.dma_semaphore, #tpu.memory_space<semaphore_mem>>)
      %dma_start3A_423 = arith.constant 0 : i32
      %dma_start3A_424 = arith.constant 7 : i32
      %dma_start3A_425 = arith.constant 0 : i32
      %dma_start3A_426 = arith.constant 7 : i32
      %dma_start3A_427 = arith.constant 0 : i32
      %dma_start3A_428 = arith.constant 0 : i32
      %dma_start3A_429 = tpu.memref_slice %arg6[%dma_start3A_425, %dma_start3A_426, %dma_start3A_427, %dma_start3A_428] : memref<2x16x200x16xf32, #tpu.memory_space<vmem>> -> memref<1x1x200x16xf32, #tpu.memory_space<vmem>>
      %dma_start3A_430 = tpu.memref_squeeze %dma_start3A_429 : memref<1x1x200x16xf32, #tpu.memory_space<vmem>> -> memref<200x16xf32, #tpu.memory_space<vmem>>
      %dma_start3A_431 = arith.constant 0 : i32
      %dma_start3A_432 = tpu.memref_slice %arg5[%dma_start3A_423, %dma_start3A_424, %dma_start3A_431] : memref<2x16x200xi32, #tpu.memory_space<vmem>> -> memref<1x1x200xi32, #tpu.memory_space<vmem>>
      %dma_start3A_433 = tpu.memref_squeeze %dma_start3A_432 : memref<1x1x200xi32, #tpu.memory_space<vmem>> -> memref<200xi32, #tpu.memory_space<vmem>>
      %dma_start3A_434 = arith.constant 0 : i32
      %dma_start3A_435 = arith.constant 0 : i32
      %dma_start3A_436 = tpu.memref_slice %arg7[%dma_start3A_434, %dma_start3A_435] : memref<1024x16xf32, #tpu.memory_space<vmem_shared>> -> memref<1024x16xf32, #tpu.memory_space<vmem_shared>>
      tpu.enqueue_indirect_dma source(%dma_start3A_436 : memref<1024x16xf32, #tpu.memory_space<vmem_shared>>) target(%dma_start3A_430 : memref<200x16xf32, #tpu.memory_space<vmem>>) offsets(%dma_start3A_433 : memref<200xi32, #tpu.memory_space<vmem>>) semaphore(%arg10 : memref<!tpu.dma_semaphore, #tpu.memory_space<semaphore_mem>>)
      %dma_start3A_437 = arith.constant 0 : i32
      %dma_start3A_438 = arith.constant 8 : i32
      %dma_start3A_439 = arith.constant 0 : i32
      %dma_start3A_440 = arith.constant 8 : i32
      %dma_start3A_441 = arith.constant 0 : i32
      %dma_start3A_442 = arith.constant 0 : i32
      %dma_start3A_443 = tpu.memref_slice %arg6[%dma_start3A_439, %dma_start3A_440, %dma_start3A_441, %dma_start3A_442] : memref<2x16x200x16xf32, #tpu.memory_space<vmem>> -> memref<1x1x200x16xf32, #tpu.memory_space<vmem>>
      %dma_start3A_444 = tpu.memref_squeeze %dma_start3A_443 : memref<1x1x200x16xf32, #tpu.memory_space<vmem>> -> memref<200x16xf32, #tpu.memory_space<vmem>>
      %dma_start3A_445 = arith.constant 0 : i32
      %dma_start3A_446 = tpu.memref_slice %arg5[%dma_start3A_437, %dma_start3A_438, %dma_start3A_445] : memref<2x16x200xi32, #tpu.memory_space<vmem>> -> memref<1x1x200xi32, #tpu.memory_space<vmem>>
      %dma_start3A_447 = tpu.memref_squeeze %dma_start3A_446 : memref<1x1x200xi32, #tpu.memory_space<vmem>> -> memref<200xi32, #tpu.memory_space<vmem>>
      %dma_start3A_448 = arith.constant 0 : i32
      %dma_start3A_449 = arith.constant 0 : i32
      %dma_start3A_450 = tpu.memref_slice %arg7[%dma_start3A_448, %dma_start3A_449] : memref<1024x16xf32, #tpu.memory_space<vmem_shared>> -> memref<1024x16xf32, #tpu.memory_space<vmem_shared>>
      tpu.enqueue_indirect_dma source(%dma_start3A_450 : memref<1024x16xf32, #tpu.memory_space<vmem_shared>>) target(%dma_start3A_444 : memref<200x16xf32, #tpu.memory_space<vmem>>) offsets(%dma_start3A_447 : memref<200xi32, #tpu.memory_space<vmem>>) semaphore(%arg10 : memref<!tpu.dma_semaphore, #tpu.memory_space<semaphore_mem>>)
      %dma_start3A_451 = arith.constant 0 : i32
      %dma_start3A_452 = arith.constant 9 : i32
      %dma_start3A_453 = arith.constant 0 : i32
      %dma_start3A_454 = arith.constant 9 : i32
      %dma_start3A_455 = arith.constant 0 : i32
      %dma_start3A_456 = arith.constant 0 : i32
      %dma_start3A_457 = tpu.memref_slice %arg6[%dma_start3A_453, %dma_start3A_454, %dma_start3A_455, %dma_start3A_456] : memref<2x16x200x16xf32, #tpu.memory_space<vmem>> -> memref<1x1x200x16xf32, #tpu.memory_space<vmem>>
      %dma_start3A_458 = tpu.memref_squeeze %dma_start3A_457 : memref<1x1x200x16xf32, #tpu.memory_space<vmem>> -> memref<200x16xf32, #tpu.memory_space<vmem>>
      %dma_start3A_459 = arith.constant 0 : i32
      %dma_start3A_460 = tpu.memref_slice %arg5[%dma_start3A_451, %dma_start3A_452, %dma_start3A_459] : memref<2x16x200xi32, #tpu.memory_space<vmem>> -> memref<1x1x200xi32, #tpu.memory_space<vmem>>
      %dma_start3A_461 = tpu.memref_squeeze %dma_start3A_460 : memref<1x1x200xi32, #tpu.memory_space<vmem>> -> memref<200xi32, #tpu.memory_space<vmem>>
      %dma_start3A_462 = arith.constant 0 : i32
      %dma_start3A_463 = arith.constant 0 : i32
      %dma_start3A_464 = tpu.memref_slice %arg7[%dma_start3A_462, %dma_start3A_463] : memref<1024x16xf32, #tpu.memory_space<vmem_shared>> -> memref<1024x16xf32, #tpu.memory_space<vmem_shared>>
      tpu.enqueue_indirect_dma source(%dma_start3A_464 : memref<1024x16xf32, #tpu.memory_space<vmem_shared>>) target(%dma_start3A_458 : memref<200x16xf32, #tpu.memory_space<vmem>>) offsets(%dma_start3A_461 : memref<200xi32, #tpu.memory_space<vmem>>) semaphore(%arg10 : memref<!tpu.dma_semaphore, #tpu.memory_space<semaphore_mem>>)
      %dma_start3A_465 = arith.constant 0 : i32
      %dma_start3A_466 = arith.constant 10 : i32
      %dma_start3A_467 = arith.constant 0 : i32
      %dma_start3A_468 = arith.constant 10 : i32
      %dma_start3A_469 = arith.constant 0 : i32
      %dma_start3A_470 = arith.constant 0 : i32
      %dma_start3A_471 = tpu.memref_slice %arg6[%dma_start3A_467, %dma_start3A_468, %dma_start3A_469, %dma_start3A_470] : memref<2x16x200x16xf32, #tpu.memory_space<vmem>> -> memref<1x1x200x16xf32, #tpu.memory_space<vmem>>
      %dma_start3A_472 = tpu.memref_squeeze %dma_start3A_471 : memref<1x1x200x16xf32, #tpu.memory_space<vmem>> -> memref<200x16xf32, #tpu.memory_space<vmem>>
      %dma_start3A_473 = arith.constant 0 : i32
      %dma_start3A_474 = tpu.memref_slice %arg5[%dma_start3A_465, %dma_start3A_466, %dma_start3A_473] : memref<2x16x200xi32, #tpu.memory_space<vmem>> -> memref<1x1x200xi32, #tpu.memory_space<vmem>>
      %dma_start3A_475 = tpu.memref_squeeze %dma_start3A_474 : memref<1x1x200xi32, #tpu.memory_space<vmem>> -> memref<200xi32, #tpu.memory_space<vmem>>
      %dma_start3A_476 = arith.constant 0 : i32
      %dma_start3A_477 = arith.constant 0 : i32
      %dma_start3A_478 = tpu.memref_slice %arg7[%dma_start3A_476, %dma_start3A_477] : memref<1024x16xf32, #tpu.memory_space<vmem_shared>> -> memref<1024x16xf32, #tpu.memory_space<vmem_shared>>
      tpu.enqueue_indirect_dma source(%dma_start3A_478 : memref<1024x16xf32, #tpu.memory_space<vmem_shared>>) target(%dma_start3A_472 : memref<200x16xf32, #tpu.memory_space<vmem>>) offsets(%dma_start3A_475 : memref<200xi32, #tpu.memory_space<vmem>>) semaphore(%arg10 : memref<!tpu.dma_semaphore, #tpu.memory_space<semaphore_mem>>)
      %dma_start3A_479 = arith.constant 0 : i32
      %dma_start3A_480 = arith.constant 11 : i32
      %dma_start3A_481 = arith.constant 0 : i32
      %dma_start3A_482 = arith.constant 11 : i32
      %dma_start3A_483 = arith.constant 0 : i32
      %dma_start3A_484 = arith.constant 0 : i32
      %dma_start3A_485 = tpu.memref_slice %arg6[%dma_start3A_481, %dma_start3A_482, %dma_start3A_483, %dma_start3A_484] : memref<2x16x200x16xf32, #tpu.memory_space<vmem>> -> memref<1x1x200x16xf32, #tpu.memory_space<vmem>>
      %dma_start3A_486 = tpu.memref_squeeze %dma_start3A_485 : memref<1x1x200x16xf32, #tpu.memory_space<vmem>> -> memref<200x16xf32, #tpu.memory_space<vmem>>
      %dma_start3A_487 = arith.constant 0 : i32
      %dma_start3A_488 = tpu.memref_slice %arg5[%dma_start3A_479, %dma_start3A_480, %dma_start3A_487] : memref<2x16x200xi32, #tpu.memory_space<vmem>> -> memref<1x1x200xi32, #tpu.memory_space<vmem>>
      %dma_start3A_489 = tpu.memref_squeeze %dma_start3A_488 : memref<1x1x200xi32, #tpu.memory_space<vmem>> -> memref<200xi32, #tpu.memory_space<vmem>>
      %dma_start3A_490 = arith.constant 0 : i32
      %dma_start3A_491 = arith.constant 0 : i32
      %dma_start3A_492 = tpu.memref_slice %arg7[%dma_start3A_490, %dma_start3A_491] : memref<1024x16xf32, #tpu.memory_space<vmem_shared>> -> memref<1024x16xf32, #tpu.memory_space<vmem_shared>>
      tpu.enqueue_indirect_dma source(%dma_start3A_492 : memref<1024x16xf32, #tpu.memory_space<vmem_shared>>) target(%dma_start3A_486 : memref<200x16xf32, #tpu.memory_space<vmem>>) offsets(%dma_start3A_489 : memref<200xi32, #tpu.memory_space<vmem>>) semaphore(%arg10 : memref<!tpu.dma_semaphore, #tpu.memory_space<semaphore_mem>>)
      %dma_start3A_493 = arith.constant 0 : i32
      %dma_start3A_494 = arith.constant 12 : i32
      %dma_start3A_495 = arith.constant 0 : i32
      %dma_start3A_496 = arith.constant 12 : i32
      %dma_start3A_497 = arith.constant 0 : i32
      %dma_start3A_498 = arith.constant 0 : i32
      %dma_start3A_499 = tpu.memref_slice %arg6[%dma_start3A_495, %dma_start3A_496, %dma_start3A_497, %dma_start3A_498] : memref<2x16x200x16xf32, #tpu.memory_space<vmem>> -> memref<1x1x200x16xf32, #tpu.memory_space<vmem>>
      %dma_start3A_500 = tpu.memref_squeeze %dma_start3A_499 : memref<1x1x200x16xf32, #tpu.memory_space<vmem>> -> memref<200x16xf32, #tpu.memory_space<vmem>>
      %dma_start3A_501 = arith.constant 0 : i32
      %dma_start3A_502 = tpu.memref_slice %arg5[%dma_start3A_493, %dma_start3A_494, %dma_start3A_501] : memref<2x16x200xi32, #tpu.memory_space<vmem>> -> memref<1x1x200xi32, #tpu.memory_space<vmem>>
      %dma_start3A_503 = tpu.memref_squeeze %dma_start3A_502 : memref<1x1x200xi32, #tpu.memory_space<vmem>> -> memref<200xi32, #tpu.memory_space<vmem>>
      %dma_start3A_504 = arith.constant 0 : i32
      %dma_start3A_505 = arith.constant 0 : i32
      %dma_start3A_506 = tpu.memref_slice %arg7[%dma_start3A_504, %dma_start3A_505] : memref<1024x16xf32, #tpu.memory_space<vmem_shared>> -> memref<1024x16xf32, #tpu.memory_space<vmem_shared>>
      tpu.enqueue_indirect_dma source(%dma_start3A_506 : memref<1024x16xf32, #tpu.memory_space<vmem_shared>>) target(%dma_start3A_500 : memref<200x16xf32, #tpu.memory_space<vmem>>) offsets(%dma_start3A_503 : memref<200xi32, #tpu.memory_space<vmem>>) semaphore(%arg10 : memref<!tpu.dma_semaphore, #tpu.memory_space<semaphore_mem>>)
      %dma_start3A_507 = arith.constant 0 : i32
      %dma_start3A_508 = arith.constant 13 : i32
      %dma_start3A_509 = arith.constant 0 : i32
      %dma_start3A_510 = arith.constant 13 : i32
      %dma_start3A_511 = arith.constant 0 : i32
      %dma_start3A_512 = arith.constant 0 : i32
      %dma_start3A_513 = tpu.memref_slice %arg6[%dma_start3A_509, %dma_start3A_510, %dma_start3A_511, %dma_start3A_512] : memref<2x16x200x16xf32, #tpu.memory_space<vmem>> -> memref<1x1x200x16xf32, #tpu.memory_space<vmem>>
      %dma_start3A_514 = tpu.memref_squeeze %dma_start3A_513 : memref<1x1x200x16xf32, #tpu.memory_space<vmem>> -> memref<200x16xf32, #tpu.memory_space<vmem>>
      %dma_start3A_515 = arith.constant 0 : i32
      %dma_start3A_516 = tpu.memref_slice %arg5[%dma_start3A_507, %dma_start3A_508, %dma_start3A_515] : memref<2x16x200xi32, #tpu.memory_space<vmem>> -> memref<1x1x200xi32, #tpu.memory_space<vmem>>
      %dma_start3A_517 = tpu.memref_squeeze %dma_start3A_516 : memref<1x1x200xi32, #tpu.memory_space<vmem>> -> memref<200xi32, #tpu.memory_space<vmem>>
      %dma_start3A_518 = arith.constant 0 : i32
      %dma_start3A_519 = arith.constant 0 : i32
      %dma_start3A_520 = tpu.memref_slice %arg7[%dma_start3A_518, %dma_start3A_519] : memref<1024x16xf32, #tpu.memory_space<vmem_shared>> -> memref<1024x16xf32, #tpu.memory_space<vmem_shared>>
      tpu.enqueue_indirect_dma source(%dma_start3A_520 : memref<1024x16xf32, #tpu.memory_space<vmem_shared>>) target(%dma_start3A_514 : memref<200x16xf32, #tpu.memory_space<vmem>>) offsets(%dma_start3A_517 : memref<200xi32, #tpu.memory_space<vmem>>) semaphore(%arg10 : memref<!tpu.dma_semaphore, #tpu.memory_space<semaphore_mem>>)
      %dma_start3A_521 = arith.constant 0 : i32
      %dma_start3A_522 = arith.constant 14 : i32
      %dma_start3A_523 = arith.constant 0 : i32
      %dma_start3A_524 = arith.constant 14 : i32
      %dma_start3A_525 = arith.constant 0 : i32
      %dma_start3A_526 = arith.constant 0 : i32
      %dma_start3A_527 = tpu.memref_slice %arg6[%dma_start3A_523, %dma_start3A_524, %dma_start3A_525, %dma_start3A_526] : memref<2x16x200x16xf32, #tpu.memory_space<vmem>> -> memref<1x1x200x16xf32, #tpu.memory_space<vmem>>
      %dma_start3A_528 = tpu.memref_squeeze %dma_start3A_527 : memref<1x1x200x16xf32, #tpu.memory_space<vmem>> -> memref<200x16xf32, #tpu.memory_space<vmem>>
      %dma_start3A_529 = arith.constant 0 : i32
      %dma_start3A_530 = tpu.memref_slice %arg5[%dma_start3A_521, %dma_start3A_522, %dma_start3A_529] : memref<2x16x200xi32, #tpu.memory_space<vmem>> -> memref<1x1x200xi32, #tpu.memory_space<vmem>>
      %dma_start3A_531 = tpu.memref_squeeze %dma_start3A_530 : memref<1x1x200xi32, #tpu.memory_space<vmem>> -> memref<200xi32, #tpu.memory_space<vmem>>
      %dma_start3A_532 = arith.constant 0 : i32
      %dma_start3A_533 = arith.constant 0 : i32
      %dma_start3A_534 = tpu.memref_slice %arg7[%dma_start3A_532, %dma_start3A_533] : memref<1024x16xf32, #tpu.memory_space<vmem_shared>> -> memref<1024x16xf32, #tpu.memory_space<vmem_shared>>
      tpu.enqueue_indirect_dma source(%dma_start3A_534 : memref<1024x16xf32, #tpu.memory_space<vmem_shared>>) target(%dma_start3A_528 : memref<200x16xf32, #tpu.memory_space<vmem>>) offsets(%dma_start3A_531 : memref<200xi32, #tpu.memory_space<vmem>>) semaphore(%arg10 : memref<!tpu.dma_semaphore, #tpu.memory_space<semaphore_mem>>)
      %dma_start3A_535 = arith.constant 0 : i32
      %dma_start3A_536 = arith.constant 15 : i32
      %dma_start3A_537 = arith.constant 0 : i32
      %dma_start3A_538 = arith.constant 15 : i32
      %dma_start3A_539 = arith.constant 0 : i32
      %dma_start3A_540 = arith.constant 0 : i32
      %dma_start3A_541 = tpu.memref_slice %arg6[%dma_start3A_537, %dma_start3A_538, %dma_start3A_539, %dma_start3A_540] : memref<2x16x200x16xf32, #tpu.memory_space<vmem>> -> memref<1x1x200x16xf32, #tpu.memory_space<vmem>>
      %dma_start3A_542 = tpu.memref_squeeze %dma_start3A_541 : memref<1x1x200x16xf32, #tpu.memory_space<vmem>> -> memref<200x16xf32, #tpu.memory_space<vmem>>
      %dma_start3A_543 = arith.constant 0 : i32
      %dma_start3A_544 = tpu.memref_slice %arg5[%dma_start3A_535, %dma_start3A_536, %dma_start3A_543] : memref<2x16x200xi32, #tpu.memory_space<vmem>> -> memref<1x1x200xi32, #tpu.memory_space<vmem>>
      %dma_start3A_545 = tpu.memref_squeeze %dma_start3A_544 : memref<1x1x200xi32, #tpu.memory_space<vmem>> -> memref<200xi32, #tpu.memory_space<vmem>>
      %dma_start3A_546 = arith.constant 0 : i32
      %dma_start3A_547 = arith.constant 0 : i32
      %dma_start3A_548 = tpu.memref_slice %arg7[%dma_start3A_546, %dma_start3A_547] : memref<1024x16xf32, #tpu.memory_space<vmem_shared>> -> memref<1024x16xf32, #tpu.memory_space<vmem_shared>>
      tpu.enqueue_indirect_dma source(%dma_start3A_548 : memref<1024x16xf32, #tpu.memory_space<vmem_shared>>) target(%dma_start3A_542 : memref<200x16xf32, #tpu.memory_space<vmem>>) offsets(%dma_start3A_545 : memref<200xi32, #tpu.memory_space<vmem>>) semaphore(%arg10 : memref<!tpu.dma_semaphore, #tpu.memory_space<semaphore_mem>>)
      %ge3A_549 = arith.constant 1 : i32
      %ge3A_550 = arith.cmpi sge, %add3A_306, %ge3A_549 : i32
      %convert_element_type3A_551 = arith.extui %ge3A_550 : i1 to i32
      %cond3A_552 = arith.constant 0 : i32
      %cond3A_553 = arith.cmpi ne, %convert_element_type3A_551, %cond3A_552 : i32
      scf.if %cond3A_553 {
        %dma_wait3A_821 = arith.constant 1 : i32
        %dma_wait3A_822 = arith.constant 0 : i32
        %dma_wait3A_823 = arith.constant 1 : i32
        %dma_wait3A_824 = arith.constant 0 : i32
        %dma_wait3A_825 = arith.constant 0 : i32
        %dma_wait3A_826 = arith.constant 0 : i32
        %dma_wait3A_827 = tpu.memref_slice %arg6[%dma_wait3A_823, %dma_wait3A_824, %dma_wait3A_825, %dma_wait3A_826] : memref<2x16x200x16xf32, #tpu.memory_space<vmem>> -> memref<1x1x200x16xf32, #tpu.memory_space<vmem>>
        %dma_wait3A_828 = tpu.memref_squeeze %dma_wait3A_827 : memref<1x1x200x16xf32, #tpu.memory_space<vmem>> -> memref<200x16xf32, #tpu.memory_space<vmem>>
        %dma_wait3A_829 = arith.constant 0 : i32
        %dma_wait3A_830 = tpu.memref_slice %arg5[%dma_wait3A_821, %dma_wait3A_822, %dma_wait3A_829] : memref<2x16x200xi32, #tpu.memory_space<vmem>> -> memref<1x1x200xi32, #tpu.memory_space<vmem>>
        %dma_wait3A_831 = tpu.memref_squeeze %dma_wait3A_830 : memref<1x1x200xi32, #tpu.memory_space<vmem>> -> memref<200xi32, #tpu.memory_space<vmem>>
        %dma_wait3A_832 = arith.constant 0 : i32
        %dma_wait3A_833 = arith.constant 0 : i32
        %dma_wait3A_834 = tpu.memref_slice %arg7[%dma_wait3A_832, %dma_wait3A_833] : memref<1024x16xf32, #tpu.memory_space<vmem_shared>> -> memref<1024x16xf32, #tpu.memory_space<vmem_shared>>
        tpu.wait_indirect_dma semaphore(%arg11 : memref<!tpu.dma_semaphore, #tpu.memory_space<semaphore_mem>>) src(%dma_wait3A_834 : memref<1024x16xf32, #tpu.memory_space<vmem_shared>>) dst(%dma_wait3A_828 : memref<200x16xf32, #tpu.memory_space<vmem>>)
        %dma_wait3A_835 = arith.constant 1 : i32
        %dma_wait3A_836 = arith.constant 1 : i32
        %dma_wait3A_837 = arith.constant 1 : i32
        %dma_wait3A_838 = arith.constant 1 : i32
        %dma_wait3A_839 = arith.constant 0 : i32
        %dma_wait3A_840 = arith.constant 0 : i32
        %dma_wait3A_841 = tpu.memref_slice %arg6[%dma_wait3A_837, %dma_wait3A_838, %dma_wait3A_839, %dma_wait3A_840] : memref<2x16x200x16xf32, #tpu.memory_space<vmem>> -> memref<1x1x200x16xf32, #tpu.memory_space<vmem>>
        %dma_wait3A_842 = tpu.memref_squeeze %dma_wait3A_841 : memref<1x1x200x16xf32, #tpu.memory_space<vmem>> -> memref<200x16xf32, #tpu.memory_space<vmem>>
        %dma_wait3A_843 = arith.constant 0 : i32
        %dma_wait3A_844 = tpu.memref_slice %arg5[%dma_wait3A_835, %dma_wait3A_836, %dma_wait3A_843] : memref<2x16x200xi32, #tpu.memory_space<vmem>> -> memref<1x1x200xi32, #tpu.memory_space<vmem>>
        %dma_wait3A_845 = tpu.memref_squeeze %dma_wait3A_844 : memref<1x1x200xi32, #tpu.memory_space<vmem>> -> memref<200xi32, #tpu.memory_space<vmem>>
        %dma_wait3A_846 = arith.constant 0 : i32
        %dma_wait3A_847 = arith.constant 0 : i32
        %dma_wait3A_848 = tpu.memref_slice %arg7[%dma_wait3A_846, %dma_wait3A_847] : memref<1024x16xf32, #tpu.memory_space<vmem_shared>> -> memref<1024x16xf32, #tpu.memory_space<vmem_shared>>
        tpu.wait_indirect_dma semaphore(%arg11 : memref<!tpu.dma_semaphore, #tpu.memory_space<semaphore_mem>>) src(%dma_wait3A_848 : memref<1024x16xf32, #tpu.memory_space<vmem_shared>>) dst(%dma_wait3A_842 : memref<200x16xf32, #tpu.memory_space<vmem>>)
        %dma_wait3A_849 = arith.constant 1 : i32
        %dma_wait3A_850 = arith.constant 2 : i32
        %dma_wait3A_851 = arith.constant 1 : i32
        %dma_wait3A_852 = arith.constant 2 : i32
        %dma_wait3A_853 = arith.constant 0 : i32
        %dma_wait3A_854 = arith.constant 0 : i32
        %dma_wait3A_855 = tpu.memref_slice %arg6[%dma_wait3A_851, %dma_wait3A_852, %dma_wait3A_853, %dma_wait3A_854] : memref<2x16x200x16xf32, #tpu.memory_space<vmem>> -> memref<1x1x200x16xf32, #tpu.memory_space<vmem>>
        %dma_wait3A_856 = tpu.memref_squeeze %dma_wait3A_855 : memref<1x1x200x16xf32, #tpu.memory_space<vmem>> -> memref<200x16xf32, #tpu.memory_space<vmem>>
        %dma_wait3A_857 = arith.constant 0 : i32
        %dma_wait3A_858 = tpu.memref_slice %arg5[%dma_wait3A_849, %dma_wait3A_850, %dma_wait3A_857] : memref<2x16x200xi32, #tpu.memory_space<vmem>> -> memref<1x1x200xi32, #tpu.memory_space<vmem>>
        %dma_wait3A_859 = tpu.memref_squeeze %dma_wait3A_858 : memref<1x1x200xi32, #tpu.memory_space<vmem>> -> memref<200xi32, #tpu.memory_space<vmem>>
        %dma_wait3A_860 = arith.constant 0 : i32
        %dma_wait3A_861 = arith.constant 0 : i32
        %dma_wait3A_862 = tpu.memref_slice %arg7[%dma_wait3A_860, %dma_wait3A_861] : memref<1024x16xf32, #tpu.memory_space<vmem_shared>> -> memref<1024x16xf32, #tpu.memory_space<vmem_shared>>
        tpu.wait_indirect_dma semaphore(%arg11 : memref<!tpu.dma_semaphore, #tpu.memory_space<semaphore_mem>>) src(%dma_wait3A_862 : memref<1024x16xf32, #tpu.memory_space<vmem_shared>>) dst(%dma_wait3A_856 : memref<200x16xf32, #tpu.memory_space<vmem>>)
        %dma_wait3A_863 = arith.constant 1 : i32
        %dma_wait3A_864 = arith.constant 3 : i32
        %dma_wait3A_865 = arith.constant 1 : i32
        %dma_wait3A_866 = arith.constant 3 : i32
        %dma_wait3A_867 = arith.constant 0 : i32
        %dma_wait3A_868 = arith.constant 0 : i32
        %dma_wait3A_869 = tpu.memref_slice %arg6[%dma_wait3A_865, %dma_wait3A_866, %dma_wait3A_867, %dma_wait3A_868] : memref<2x16x200x16xf32, #tpu.memory_space<vmem>> -> memref<1x1x200x16xf32, #tpu.memory_space<vmem>>
        %dma_wait3A_870 = tpu.memref_squeeze %dma_wait3A_869 : memref<1x1x200x16xf32, #tpu.memory_space<vmem>> -> memref<200x16xf32, #tpu.memory_space<vmem>>
        %dma_wait3A_871 = arith.constant 0 : i32
        %dma_wait3A_872 = tpu.memref_slice %arg5[%dma_wait3A_863, %dma_wait3A_864, %dma_wait3A_871] : memref<2x16x200xi32, #tpu.memory_space<vmem>> -> memref<1x1x200xi32, #tpu.memory_space<vmem>>
        %dma_wait3A_873 = tpu.memref_squeeze %dma_wait3A_872 : memref<1x1x200xi32, #tpu.memory_space<vmem>> -> memref<200xi32, #tpu.memory_space<vmem>>
        %dma_wait3A_874 = arith.constant 0 : i32
        %dma_wait3A_875 = arith.constant 0 : i32
        %dma_wait3A_876 = tpu.memref_slice %arg7[%dma_wait3A_874, %dma_wait3A_875] : memref<1024x16xf32, #tpu.memory_space<vmem_shared>> -> memref<1024x16xf32, #tpu.memory_space<vmem_shared>>
        tpu.wait_indirect_dma semaphore(%arg11 : memref<!tpu.dma_semaphore, #tpu.memory_space<semaphore_mem>>) src(%dma_wait3A_876 : memref<1024x16xf32, #tpu.memory_space<vmem_shared>>) dst(%dma_wait3A_870 : memref<200x16xf32, #tpu.memory_space<vmem>>)
        %dma_wait3A_877 = arith.constant 1 : i32
        %dma_wait3A_878 = arith.constant 4 : i32
        %dma_wait3A_879 = arith.constant 1 : i32
        %dma_wait3A_880 = arith.constant 4 : i32
        %dma_wait3A_881 = arith.constant 0 : i32
        %dma_wait3A_882 = arith.constant 0 : i32
        %dma_wait3A_883 = tpu.memref_slice %arg6[%dma_wait3A_879, %dma_wait3A_880, %dma_wait3A_881, %dma_wait3A_882] : memref<2x16x200x16xf32, #tpu.memory_space<vmem>> -> memref<1x1x200x16xf32, #tpu.memory_space<vmem>>
        %dma_wait3A_884 = tpu.memref_squeeze %dma_wait3A_883 : memref<1x1x200x16xf32, #tpu.memory_space<vmem>> -> memref<200x16xf32, #tpu.memory_space<vmem>>
        %dma_wait3A_885 = arith.constant 0 : i32
        %dma_wait3A_886 = tpu.memref_slice %arg5[%dma_wait3A_877, %dma_wait3A_878, %dma_wait3A_885] : memref<2x16x200xi32, #tpu.memory_space<vmem>> -> memref<1x1x200xi32, #tpu.memory_space<vmem>>
        %dma_wait3A_887 = tpu.memref_squeeze %dma_wait3A_886 : memref<1x1x200xi32, #tpu.memory_space<vmem>> -> memref<200xi32, #tpu.memory_space<vmem>>
        %dma_wait3A_888 = arith.constant 0 : i32
        %dma_wait3A_889 = arith.constant 0 : i32
        %dma_wait3A_890 = tpu.memref_slice %arg7[%dma_wait3A_888, %dma_wait3A_889] : memref<1024x16xf32, #tpu.memory_space<vmem_shared>> -> memref<1024x16xf32, #tpu.memory_space<vmem_shared>>
        tpu.wait_indirect_dma semaphore(%arg11 : memref<!tpu.dma_semaphore, #tpu.memory_space<semaphore_mem>>) src(%dma_wait3A_890 : memref<1024x16xf32, #tpu.memory_space<vmem_shared>>) dst(%dma_wait3A_884 : memref<200x16xf32, #tpu.memory_space<vmem>>)
        %dma_wait3A_891 = arith.constant 1 : i32
        %dma_wait3A_892 = arith.constant 5 : i32
        %dma_wait3A_893 = arith.constant 1 : i32
        %dma_wait3A_894 = arith.constant 5 : i32
        %dma_wait3A_895 = arith.constant 0 : i32
        %dma_wait3A_896 = arith.constant 0 : i32
        %dma_wait3A_897 = tpu.memref_slice %arg6[%dma_wait3A_893, %dma_wait3A_894, %dma_wait3A_895, %dma_wait3A_896] : memref<2x16x200x16xf32, #tpu.memory_space<vmem>> -> memref<1x1x200x16xf32, #tpu.memory_space<vmem>>
        %dma_wait3A_898 = tpu.memref_squeeze %dma_wait3A_897 : memref<1x1x200x16xf32, #tpu.memory_space<vmem>> -> memref<200x16xf32, #tpu.memory_space<vmem>>
        %dma_wait3A_899 = arith.constant 0 : i32
        %dma_wait3A_900 = tpu.memref_slice %arg5[%dma_wait3A_891, %dma_wait3A_892, %dma_wait3A_899] : memref<2x16x200xi32, #tpu.memory_space<vmem>> -> memref<1x1x200xi32, #tpu.memory_space<vmem>>
        %dma_wait3A_901 = tpu.memref_squeeze %dma_wait3A_900 : memref<1x1x200xi32, #tpu.memory_space<vmem>> -> memref<200xi32, #tpu.memory_space<vmem>>
        %dma_wait3A_902 = arith.constant 0 : i32
        %dma_wait3A_903 = arith.constant 0 : i32
        %dma_wait3A_904 = tpu.memref_slice %arg7[%dma_wait3A_902, %dma_wait3A_903] : memref<1024x16xf32, #tpu.memory_space<vmem_shared>> -> memref<1024x16xf32, #tpu.memory_space<vmem_shared>>
        tpu.wait_indirect_dma semaphore(%arg11 : memref<!tpu.dma_semaphore, #tpu.memory_space<semaphore_mem>>) src(%dma_wait3A_904 : memref<1024x16xf32, #tpu.memory_space<vmem_shared>>) dst(%dma_wait3A_898 : memref<200x16xf32, #tpu.memory_space<vmem>>)
        %dma_wait3A_905 = arith.constant 1 : i32
        %dma_wait3A_906 = arith.constant 6 : i32
        %dma_wait3A_907 = arith.constant 1 : i32
        %dma_wait3A_908 = arith.constant 6 : i32
        %dma_wait3A_909 = arith.constant 0 : i32
        %dma_wait3A_910 = arith.constant 0 : i32
        %dma_wait3A_911 = tpu.memref_slice %arg6[%dma_wait3A_907, %dma_wait3A_908, %dma_wait3A_909, %dma_wait3A_910] : memref<2x16x200x16xf32, #tpu.memory_space<vmem>> -> memref<1x1x200x16xf32, #tpu.memory_space<vmem>>
        %dma_wait3A_912 = tpu.memref_squeeze %dma_wait3A_911 : memref<1x1x200x16xf32, #tpu.memory_space<vmem>> -> memref<200x16xf32, #tpu.memory_space<vmem>>
        %dma_wait3A_913 = arith.constant 0 : i32
        %dma_wait3A_914 = tpu.memref_slice %arg5[%dma_wait3A_905, %dma_wait3A_906, %dma_wait3A_913] : memref<2x16x200xi32, #tpu.memory_space<vmem>> -> memref<1x1x200xi32, #tpu.memory_space<vmem>>
        %dma_wait3A_915 = tpu.memref_squeeze %dma_wait3A_914 : memref<1x1x200xi32, #tpu.memory_space<vmem>> -> memref<200xi32, #tpu.memory_space<vmem>>
        %dma_wait3A_916 = arith.constant 0 : i32
        %dma_wait3A_917 = arith.constant 0 : i32
        %dma_wait3A_918 = tpu.memref_slice %arg7[%dma_wait3A_916, %dma_wait3A_917] : memref<1024x16xf32, #tpu.memory_space<vmem_shared>> -> memref<1024x16xf32, #tpu.memory_space<vmem_shared>>
        tpu.wait_indirect_dma semaphore(%arg11 : memref<!tpu.dma_semaphore, #tpu.memory_space<semaphore_mem>>) src(%dma_wait3A_918 : memref<1024x16xf32, #tpu.memory_space<vmem_shared>>) dst(%dma_wait3A_912 : memref<200x16xf32, #tpu.memory_space<vmem>>)
        %dma_wait3A_919 = arith.constant 1 : i32
        %dma_wait3A_920 = arith.constant 7 : i32
        %dma_wait3A_921 = arith.constant 1 : i32
        %dma_wait3A_922 = arith.constant 7 : i32
        %dma_wait3A_923 = arith.constant 0 : i32
        %dma_wait3A_924 = arith.constant 0 : i32
        %dma_wait3A_925 = tpu.memref_slice %arg6[%dma_wait3A_921, %dma_wait3A_922, %dma_wait3A_923, %dma_wait3A_924] : memref<2x16x200x16xf32, #tpu.memory_space<vmem>> -> memref<1x1x200x16xf32, #tpu.memory_space<vmem>>
        %dma_wait3A_926 = tpu.memref_squeeze %dma_wait3A_925 : memref<1x1x200x16xf32, #tpu.memory_space<vmem>> -> memref<200x16xf32, #tpu.memory_space<vmem>>
        %dma_wait3A_927 = arith.constant 0 : i32
        %dma_wait3A_928 = tpu.memref_slice %arg5[%dma_wait3A_919, %dma_wait3A_920, %dma_wait3A_927] : memref<2x16x200xi32, #tpu.memory_space<vmem>> -> memref<1x1x200xi32, #tpu.memory_space<vmem>>
        %dma_wait3A_929 = tpu.memref_squeeze %dma_wait3A_928 : memref<1x1x200xi32, #tpu.memory_space<vmem>> -> memref<200xi32, #tpu.memory_space<vmem>>
        %dma_wait3A_930 = arith.constant 0 : i32
        %dma_wait3A_931 = arith.constant 0 : i32
        %dma_wait3A_932 = tpu.memref_slice %arg7[%dma_wait3A_930, %dma_wait3A_931] : memref<1024x16xf32, #tpu.memory_space<vmem_shared>> -> memref<1024x16xf32, #tpu.memory_space<vmem_shared>>
        tpu.wait_indirect_dma semaphore(%arg11 : memref<!tpu.dma_semaphore, #tpu.memory_space<semaphore_mem>>) src(%dma_wait3A_932 : memref<1024x16xf32, #tpu.memory_space<vmem_shared>>) dst(%dma_wait3A_926 : memref<200x16xf32, #tpu.memory_space<vmem>>)
        %dma_wait3A_933 = arith.constant 1 : i32
        %dma_wait3A_934 = arith.constant 8 : i32
        %dma_wait3A_935 = arith.constant 1 : i32
        %dma_wait3A_936 = arith.constant 8 : i32
        %dma_wait3A_937 = arith.constant 0 : i32
        %dma_wait3A_938 = arith.constant 0 : i32
        %dma_wait3A_939 = tpu.memref_slice %arg6[%dma_wait3A_935, %dma_wait3A_936, %dma_wait3A_937, %dma_wait3A_938] : memref<2x16x200x16xf32, #tpu.memory_space<vmem>> -> memref<1x1x200x16xf32, #tpu.memory_space<vmem>>
        %dma_wait3A_940 = tpu.memref_squeeze %dma_wait3A_939 : memref<1x1x200x16xf32, #tpu.memory_space<vmem>> -> memref<200x16xf32, #tpu.memory_space<vmem>>
        %dma_wait3A_941 = arith.constant 0 : i32
        %dma_wait3A_942 = tpu.memref_slice %arg5[%dma_wait3A_933, %dma_wait3A_934, %dma_wait3A_941] : memref<2x16x200xi32, #tpu.memory_space<vmem>> -> memref<1x1x200xi32, #tpu.memory_space<vmem>>
        %dma_wait3A_943 = tpu.memref_squeeze %dma_wait3A_942 : memref<1x1x200xi32, #tpu.memory_space<vmem>> -> memref<200xi32, #tpu.memory_space<vmem>>
        %dma_wait3A_944 = arith.constant 0 : i32
        %dma_wait3A_945 = arith.constant 0 : i32
        %dma_wait3A_946 = tpu.memref_slice %arg7[%dma_wait3A_944, %dma_wait3A_945] : memref<1024x16xf32, #tpu.memory_space<vmem_shared>> -> memref<1024x16xf32, #tpu.memory_space<vmem_shared>>
        tpu.wait_indirect_dma semaphore(%arg11 : memref<!tpu.dma_semaphore, #tpu.memory_space<semaphore_mem>>) src(%dma_wait3A_946 : memref<1024x16xf32, #tpu.memory_space<vmem_shared>>) dst(%dma_wait3A_940 : memref<200x16xf32, #tpu.memory_space<vmem>>)
        %dma_wait3A_947 = arith.constant 1 : i32
        %dma_wait3A_948 = arith.constant 9 : i32
        %dma_wait3A_949 = arith.constant 1 : i32
        %dma_wait3A_950 = arith.constant 9 : i32
        %dma_wait3A_951 = arith.constant 0 : i32
        %dma_wait3A_952 = arith.constant 0 : i32
        %dma_wait3A_953 = tpu.memref_slice %arg6[%dma_wait3A_949, %dma_wait3A_950, %dma_wait3A_951, %dma_wait3A_952] : memref<2x16x200x16xf32, #tpu.memory_space<vmem>> -> memref<1x1x200x16xf32, #tpu.memory_space<vmem>>
        %dma_wait3A_954 = tpu.memref_squeeze %dma_wait3A_953 : memref<1x1x200x16xf32, #tpu.memory_space<vmem>> -> memref<200x16xf32, #tpu.memory_space<vmem>>
        %dma_wait3A_955 = arith.constant 0 : i32
        %dma_wait3A_956 = tpu.memref_slice %arg5[%dma_wait3A_947, %dma_wait3A_948, %dma_wait3A_955] : memref<2x16x200xi32, #tpu.memory_space<vmem>> -> memref<1x1x200xi32, #tpu.memory_space<vmem>>
        %dma_wait3A_957 = tpu.memref_squeeze %dma_wait3A_956 : memref<1x1x200xi32, #tpu.memory_space<vmem>> -> memref<200xi32, #tpu.memory_space<vmem>>
        %dma_wait3A_958 = arith.constant 0 : i32
        %dma_wait3A_959 = arith.constant 0 : i32
        %dma_wait3A_960 = tpu.memref_slice %arg7[%dma_wait3A_958, %dma_wait3A_959] : memref<1024x16xf32, #tpu.memory_space<vmem_shared>> -> memref<1024x16xf32, #tpu.memory_space<vmem_shared>>
        tpu.wait_indirect_dma semaphore(%arg11 : memref<!tpu.dma_semaphore, #tpu.memory_space<semaphore_mem>>) src(%dma_wait3A_960 : memref<1024x16xf32, #tpu.memory_space<vmem_shared>>) dst(%dma_wait3A_954 : memref<200x16xf32, #tpu.memory_space<vmem>>)
        %dma_wait3A_961 = arith.constant 1 : i32
        %dma_wait3A_962 = arith.constant 10 : i32
        %dma_wait3A_963 = arith.constant 1 : i32
        %dma_wait3A_964 = arith.constant 10 : i32
        %dma_wait3A_965 = arith.constant 0 : i32
        %dma_wait3A_966 = arith.constant 0 : i32
        %dma_wait3A_967 = tpu.memref_slice %arg6[%dma_wait3A_963, %dma_wait3A_964, %dma_wait3A_965, %dma_wait3A_966] : memref<2x16x200x16xf32, #tpu.memory_space<vmem>> -> memref<1x1x200x16xf32, #tpu.memory_space<vmem>>
        %dma_wait3A_968 = tpu.memref_squeeze %dma_wait3A_967 : memref<1x1x200x16xf32, #tpu.memory_space<vmem>> -> memref<200x16xf32, #tpu.memory_space<vmem>>
        %dma_wait3A_969 = arith.constant 0 : i32
        %dma_wait3A_970 = tpu.memref_slice %arg5[%dma_wait3A_961, %dma_wait3A_962, %dma_wait3A_969] : memref<2x16x200xi32, #tpu.memory_space<vmem>> -> memref<1x1x200xi32, #tpu.memory_space<vmem>>
        %dma_wait3A_971 = tpu.memref_squeeze %dma_wait3A_970 : memref<1x1x200xi32, #tpu.memory_space<vmem>> -> memref<200xi32, #tpu.memory_space<vmem>>
        %dma_wait3A_972 = arith.constant 0 : i32
        %dma_wait3A_973 = arith.constant 0 : i32
        %dma_wait3A_974 = tpu.memref_slice %arg7[%dma_wait3A_972, %dma_wait3A_973] : memref<1024x16xf32, #tpu.memory_space<vmem_shared>> -> memref<1024x16xf32, #tpu.memory_space<vmem_shared>>
        tpu.wait_indirect_dma semaphore(%arg11 : memref<!tpu.dma_semaphore, #tpu.memory_space<semaphore_mem>>) src(%dma_wait3A_974 : memref<1024x16xf32, #tpu.memory_space<vmem_shared>>) dst(%dma_wait3A_968 : memref<200x16xf32, #tpu.memory_space<vmem>>)
        %dma_wait3A_975 = arith.constant 1 : i32
        %dma_wait3A_976 = arith.constant 11 : i32
        %dma_wait3A_977 = arith.constant 1 : i32
        %dma_wait3A_978 = arith.constant 11 : i32
        %dma_wait3A_979 = arith.constant 0 : i32
        %dma_wait3A_980 = arith.constant 0 : i32
        %dma_wait3A_981 = tpu.memref_slice %arg6[%dma_wait3A_977, %dma_wait3A_978, %dma_wait3A_979, %dma_wait3A_980] : memref<2x16x200x16xf32, #tpu.memory_space<vmem>> -> memref<1x1x200x16xf32, #tpu.memory_space<vmem>>
        %dma_wait3A_982 = tpu.memref_squeeze %dma_wait3A_981 : memref<1x1x200x16xf32, #tpu.memory_space<vmem>> -> memref<200x16xf32, #tpu.memory_space<vmem>>
        %dma_wait3A_983 = arith.constant 0 : i32
        %dma_wait3A_984 = tpu.memref_slice %arg5[%dma_wait3A_975, %dma_wait3A_976, %dma_wait3A_983] : memref<2x16x200xi32, #tpu.memory_space<vmem>> -> memref<1x1x200xi32, #tpu.memory_space<vmem>>
        %dma_wait3A_985 = tpu.memref_squeeze %dma_wait3A_984 : memref<1x1x200xi32, #tpu.memory_space<vmem>> -> memref<200xi32, #tpu.memory_space<vmem>>
        %dma_wait3A_986 = arith.constant 0 : i32
        %dma_wait3A_987 = arith.constant 0 : i32
        %dma_wait3A_988 = tpu.memref_slice %arg7[%dma_wait3A_986, %dma_wait3A_987] : memref<1024x16xf32, #tpu.memory_space<vmem_shared>> -> memref<1024x16xf32, #tpu.memory_space<vmem_shared>>
        tpu.wait_indirect_dma semaphore(%arg11 : memref<!tpu.dma_semaphore, #tpu.memory_space<semaphore_mem>>) src(%dma_wait3A_988 : memref<1024x16xf32, #tpu.memory_space<vmem_shared>>) dst(%dma_wait3A_982 : memref<200x16xf32, #tpu.memory_space<vmem>>)
        %dma_wait3A_989 = arith.constant 1 : i32
        %dma_wait3A_990 = arith.constant 12 : i32
        %dma_wait3A_991 = arith.constant 1 : i32
        %dma_wait3A_992 = arith.constant 12 : i32
        %dma_wait3A_993 = arith.constant 0 : i32
        %dma_wait3A_994 = arith.constant 0 : i32
        %dma_wait3A_995 = tpu.memref_slice %arg6[%dma_wait3A_991, %dma_wait3A_992, %dma_wait3A_993, %dma_wait3A_994] : memref<2x16x200x16xf32, #tpu.memory_space<vmem>> -> memref<1x1x200x16xf32, #tpu.memory_space<vmem>>
        %dma_wait3A_996 = tpu.memref_squeeze %dma_wait3A_995 : memref<1x1x200x16xf32, #tpu.memory_space<vmem>> -> memref<200x16xf32, #tpu.memory_space<vmem>>
        %dma_wait3A_997 = arith.constant 0 : i32
        %dma_wait3A_998 = tpu.memref_slice %arg5[%dma_wait3A_989, %dma_wait3A_990, %dma_wait3A_997] : memref<2x16x200xi32, #tpu.memory_space<vmem>> -> memref<1x1x200xi32, #tpu.memory_space<vmem>>
        %dma_wait3A_999 = tpu.memref_squeeze %dma_wait3A_998 : memref<1x1x200xi32, #tpu.memory_space<vmem>> -> memref<200xi32, #tpu.memory_space<vmem>>
        %dma_wait3A_1000 = arith.constant 0 : i32
        %dma_wait3A_1001 = arith.constant 0 : i32
        %dma_wait3A_1002 = tpu.memref_slice %arg7[%dma_wait3A_1000, %dma_wait3A_1001] : memref<1024x16xf32, #tpu.memory_space<vmem_shared>> -> memref<1024x16xf32, #tpu.memory_space<vmem_shared>>
        tpu.wait_indirect_dma semaphore(%arg11 : memref<!tpu.dma_semaphore, #tpu.memory_space<semaphore_mem>>) src(%dma_wait3A_1002 : memref<1024x16xf32, #tpu.memory_space<vmem_shared>>) dst(%dma_wait3A_996 : memref<200x16xf32, #tpu.memory_space<vmem>>)
        %dma_wait3A_1003 = arith.constant 1 : i32
        %dma_wait3A_1004 = arith.constant 13 : i32
        %dma_wait3A_1005 = arith.constant 1 : i32
        %dma_wait3A_1006 = arith.constant 13 : i32
        %dma_wait3A_1007 = arith.constant 0 : i32
        %dma_wait3A_1008 = arith.constant 0 : i32
        %dma_wait3A_1009 = tpu.memref_slice %arg6[%dma_wait3A_1005, %dma_wait3A_1006, %dma_wait3A_1007, %dma_wait3A_1008] : memref<2x16x200x16xf32, #tpu.memory_space<vmem>> -> memref<1x1x200x16xf32, #tpu.memory_space<vmem>>
        %dma_wait3A_1010 = tpu.memref_squeeze %dma_wait3A_1009 : memref<1x1x200x16xf32, #tpu.memory_space<vmem>> -> memref<200x16xf32, #tpu.memory_space<vmem>>
        %dma_wait3A_1011 = arith.constant 0 : i32
        %dma_wait3A_1012 = tpu.memref_slice %arg5[%dma_wait3A_1003, %dma_wait3A_1004, %dma_wait3A_1011] : memref<2x16x200xi32, #tpu.memory_space<vmem>> -> memref<1x1x200xi32, #tpu.memory_space<vmem>>
        %dma_wait3A_1013 = tpu.memref_squeeze %dma_wait3A_1012 : memref<1x1x200xi32, #tpu.memory_space<vmem>> -> memref<200xi32, #tpu.memory_space<vmem>>
        %dma_wait3A_1014 = arith.constant 0 : i32
        %dma_wait3A_1015 = arith.constant 0 : i32
        %dma_wait3A_1016 = tpu.memref_slice %arg7[%dma_wait3A_1014, %dma_wait3A_1015] : memref<1024x16xf32, #tpu.memory_space<vmem_shared>> -> memref<1024x16xf32, #tpu.memory_space<vmem_shared>>
        tpu.wait_indirect_dma semaphore(%arg11 : memref<!tpu.dma_semaphore, #tpu.memory_space<semaphore_mem>>) src(%dma_wait3A_1016 : memref<1024x16xf32, #tpu.memory_space<vmem_shared>>) dst(%dma_wait3A_1010 : memref<200x16xf32, #tpu.memory_space<vmem>>)
        %dma_wait3A_1017 = arith.constant 1 : i32
        %dma_wait3A_1018 = arith.constant 14 : i32
        %dma_wait3A_1019 = arith.constant 1 : i32
        %dma_wait3A_1020 = arith.constant 14 : i32
        %dma_wait3A_1021 = arith.constant 0 : i32
        %dma_wait3A_1022 = arith.constant 0 : i32
        %dma_wait3A_1023 = tpu.memref_slice %arg6[%dma_wait3A_1019, %dma_wait3A_1020, %dma_wait3A_1021, %dma_wait3A_1022] : memref<2x16x200x16xf32, #tpu.memory_space<vmem>> -> memref<1x1x200x16xf32, #tpu.memory_space<vmem>>
        %dma_wait3A_1024 = tpu.memref_squeeze %dma_wait3A_1023 : memref<1x1x200x16xf32, #tpu.memory_space<vmem>> -> memref<200x16xf32, #tpu.memory_space<vmem>>
        %dma_wait3A_1025 = arith.constant 0 : i32
        %dma_wait3A_1026 = tpu.memref_slice %arg5[%dma_wait3A_1017, %dma_wait3A_1018, %dma_wait3A_1025] : memref<2x16x200xi32, #tpu.memory_space<vmem>> -> memref<1x1x200xi32, #tpu.memory_space<vmem>>
        %dma_wait3A_1027 = tpu.memref_squeeze %dma_wait3A_1026 : memref<1x1x200xi32, #tpu.memory_space<vmem>> -> memref<200xi32, #tpu.memory_space<vmem>>
        %dma_wait3A_1028 = arith.constant 0 : i32
        %dma_wait3A_1029 = arith.constant 0 : i32
        %dma_wait3A_1030 = tpu.memref_slice %arg7[%dma_wait3A_1028, %dma_wait3A_1029] : memref<1024x16xf32, #tpu.memory_space<vmem_shared>> -> memref<1024x16xf32, #tpu.memory_space<vmem_shared>>
        tpu.wait_indirect_dma semaphore(%arg11 : memref<!tpu.dma_semaphore, #tpu.memory_space<semaphore_mem>>) src(%dma_wait3A_1030 : memref<1024x16xf32, #tpu.memory_space<vmem_shared>>) dst(%dma_wait3A_1024 : memref<200x16xf32, #tpu.memory_space<vmem>>)
        %dma_wait3A_1031 = arith.constant 1 : i32
        %dma_wait3A_1032 = arith.constant 15 : i32
        %dma_wait3A_1033 = arith.constant 1 : i32
        %dma_wait3A_1034 = arith.constant 15 : i32
        %dma_wait3A_1035 = arith.constant 0 : i32
        %dma_wait3A_1036 = arith.constant 0 : i32
        %dma_wait3A_1037 = tpu.memref_slice %arg6[%dma_wait3A_1033, %dma_wait3A_1034, %dma_wait3A_1035, %dma_wait3A_1036] : memref<2x16x200x16xf32, #tpu.memory_space<vmem>> -> memref<1x1x200x16xf32, #tpu.memory_space<vmem>>
        %dma_wait3A_1038 = tpu.memref_squeeze %dma_wait3A_1037 : memref<1x1x200x16xf32, #tpu.memory_space<vmem>> -> memref<200x16xf32, #tpu.memory_space<vmem>>
        %dma_wait3A_1039 = arith.constant 0 : i32
        %dma_wait3A_1040 = tpu.memref_slice %arg5[%dma_wait3A_1031, %dma_wait3A_1032, %dma_wait3A_1039] : memref<2x16x200xi32, #tpu.memory_space<vmem>> -> memref<1x1x200xi32, #tpu.memory_space<vmem>>
        %dma_wait3A_1041 = tpu.memref_squeeze %dma_wait3A_1040 : memref<1x1x200xi32, #tpu.memory_space<vmem>> -> memref<200xi32, #tpu.memory_space<vmem>>
        %dma_wait3A_1042 = arith.constant 0 : i32
        %dma_wait3A_1043 = arith.constant 0 : i32
        %dma_wait3A_1044 = tpu.memref_slice %arg7[%dma_wait3A_1042, %dma_wait3A_1043] : memref<1024x16xf32, #tpu.memory_space<vmem_shared>> -> memref<1024x16xf32, #tpu.memory_space<vmem_shared>>
        tpu.wait_indirect_dma semaphore(%arg11 : memref<!tpu.dma_semaphore, #tpu.memory_space<semaphore_mem>>) src(%dma_wait3A_1044 : memref<1024x16xf32, #tpu.memory_space<vmem_shared>>) dst(%dma_wait3A_1038 : memref<200x16xf32, #tpu.memory_space<vmem>>)
        %sub3A = arith.constant 1 : i32
        %sub3A_1045 = arith.subi %add3A_306, %sub3A : i32
        %mul3A_1046 = arith.constant 16 : i32
        %mul3A_1047 = arith.muli %sub3A_1045, %mul3A_1046 : i32
        %add3A_1048 = arith.addi %mul3A_2, %mul3A_1047 : i32
        %dma_start3A_1049 = arith.constant 1 : i32
        %dma_start3A_1050 = arith.constant 0 : i32
        %dma_start3A_1051 = arith.constant 0 : i32
        %dma_start3A_1052 = arith.constant 0 : i32
        %dma_start3A_1053 = tpu.memref_slice %arg6[%dma_start3A_1049, %dma_start3A_1050, %dma_start3A_1051, %dma_start3A_1052] : memref<2x16x200x16xf32, #tpu.memory_space<vmem>> -> memref<1x16x200x16xf32, #tpu.memory_space<vmem>>
        %dma_start3A_1054 = tpu.memref_squeeze %dma_start3A_1053 : memref<1x16x200x16xf32, #tpu.memory_space<vmem>> -> memref<16x200x16xf32, #tpu.memory_space<vmem>>
        %dma_start3A_1055 = arith.constant 0 : i32
        %dma_start3A_1056 = arith.constant 0 : i32
        %dma_start3A_1057 = tpu.memref_slice %arg4[%add3A_1048, %dma_start3A_1055, %dma_start3A_1056] : memref<16384x200x16xf32, #tpu.memory_space<hbm>> -> memref<16x200x16xf32, #tpu.memory_space<hbm>>
        %dma_start3A_1058 = arith.constant 0 : i32
        %dma_start3A_1059 = arith.constant 0 : i32
        %dma_start3A_1060 = tpu.memref_slice %arg4[%add3A_1048, %dma_start3A_1058, %dma_start3A_1059] : memref<16384x200x16xf32, #tpu.memory_space<hbm>> -> memref<16x200x16xf32, #tpu.memory_space<hbm>>
        %dma_start3A_1061 = arith.constant 0 : i32
        %dma_start3A_1062 = arith.constant 0 : i32
        %dma_start3A_1063 = arith.constant 0 : i32
        %dma_start3A_1064 = tpu.memref_slice %arg6[%dma_start3A_1049, %dma_start3A_1061, %dma_start3A_1062, %dma_start3A_1063] : memref<2x16x200x16xf32, #tpu.memory_space<vmem>> -> memref<1x16x200x16xf32, #tpu.memory_space<vmem>>
        %dma_start3A_1065 = tpu.memref_squeeze %dma_start3A_1064 : memref<1x16x200x16xf32, #tpu.memory_space<vmem>> -> memref<16x200x16xf32, #tpu.memory_space<vmem>>
        tpu.enqueue_dma source(%dma_start3A_1065 : memref<16x200x16xf32, #tpu.memory_space<vmem>>) target(%dma_start3A_1060 : memref<16x200x16xf32, #tpu.memory_space<hbm>>) target_semaphore(%arg13 : memref<!tpu.dma_semaphore, #tpu.memory_space<semaphore_mem>>)
      } else {
      }
      %add3A_554 = arith.constant 1 : i32
      %add3A_555 = arith.addi %add3A_306, %add3A_554 : i32
      %lt3A = arith.constant 32 : i32
      %lt3A_556 = arith.cmpi slt, %add3A_555, %lt3A : i32
      %convert_element_type3A_557 = arith.extui %lt3A_556 : i1 to i32
      %cond3A_558 = arith.constant 0 : i32
      %cond3A_559 = arith.cmpi ne, %convert_element_type3A_557, %cond3A_558 : i32
      scf.if %cond3A_559 {
        %add3A_821 = arith.constant 1 : i32
        %add3A_822 = arith.addi %add3A_306, %add3A_821 : i32
        %mul3A_823 = arith.constant 16 : i32
        %mul3A_824 = arith.muli %add3A_822, %mul3A_823 : i32
        %add3A_825 = arith.addi %mul3A_2, %mul3A_824 : i32
        %dma_start3A_826 = arith.constant 1 : i32
        %dma_start3A_827 = arith.constant 0 : i32
        %dma_start3A_828 = arith.constant 0 : i32
        %dma_start3A_829 = tpu.memref_slice %arg5[%dma_start3A_826, %dma_start3A_827, %dma_start3A_828] : memref<2x16x200xi32, #tpu.memory_space<vmem>> -> memref<1x16x200xi32, #tpu.memory_space<vmem>>
        %dma_start3A_830 = tpu.memref_squeeze %dma_start3A_829 : memref<1x16x200xi32, #tpu.memory_space<vmem>> -> memref<16x200xi32, #tpu.memory_space<vmem>>
        %dma_start3A_831 = arith.constant 0 : i32
        %dma_start3A_832 = tpu.memref_slice %arg2[%add3A_825, %dma_start3A_831] : memref<16384x200xi32, #tpu.memory_space<hbm>> -> memref<16x200xi32, #tpu.memory_space<hbm>>
        %dma_start3A_833 = arith.constant 0 : i32
        %dma_start3A_834 = arith.constant 0 : i32
        %dma_start3A_835 = tpu.memref_slice %arg5[%dma_start3A_826, %dma_start3A_833, %dma_start3A_834] : memref<2x16x200xi32, #tpu.memory_space<vmem>> -> memref<1x16x200xi32, #tpu.memory_space<vmem>>
        %dma_start3A_836 = tpu.memref_squeeze %dma_start3A_835 : memref<1x16x200xi32, #tpu.memory_space<vmem>> -> memref<16x200xi32, #tpu.memory_space<vmem>>
        %dma_start3A_837 = arith.constant 0 : i32
        %dma_start3A_838 = tpu.memref_slice %arg2[%add3A_825, %dma_start3A_837] : memref<16384x200xi32, #tpu.memory_space<hbm>> -> memref<16x200xi32, #tpu.memory_space<hbm>>
        tpu.enqueue_dma source(%dma_start3A_838 : memref<16x200xi32, #tpu.memory_space<hbm>>) target(%dma_start3A_836 : memref<16x200xi32, #tpu.memory_space<vmem>>) target_semaphore(%arg9 : memref<!tpu.dma_semaphore, #tpu.memory_space<semaphore_mem>>)
      } else {
      }
      %mul3A_560 = arith.constant 2 : i32
      %mul3A_561 = arith.muli %scan3A_302, %mul3A_560 : i32
      %add3A_562 = arith.constant 1 : i32
      %add3A_563 = arith.addi %mul3A_561, %add3A_562 : i32
      %ge3A_564 = arith.constant 2 : i32
      %ge3A_565 = arith.cmpi sge, %add3A_563, %ge3A_564 : i32
      %convert_element_type3A_566 = arith.extui %ge3A_565 : i1 to i32
      %cond3A_567 = arith.constant 0 : i32
      %cond3A_568 = arith.cmpi ne, %convert_element_type3A_566, %cond3A_567 : i32
      scf.if %cond3A_568 {
        %sub3A = arith.constant 2 : i32
        %sub3A_821 = arith.subi %add3A_563, %sub3A : i32
        %mul3A_822 = arith.constant 16 : i32
        %mul3A_823 = arith.muli %sub3A_821, %mul3A_822 : i32
        %add3A_824 = arith.addi %mul3A_2, %mul3A_823 : i32
        %dma_wait3A_825 = arith.constant 1 : i32
        %dma_wait3A_826 = arith.constant 0 : i32
        %dma_wait3A_827 = arith.constant 0 : i32
        %dma_wait3A_828 = arith.constant 0 : i32
        %dma_wait3A_829 = tpu.memref_slice %arg6[%dma_wait3A_825, %dma_wait3A_826, %dma_wait3A_827, %dma_wait3A_828] : memref<2x16x200x16xf32, #tpu.memory_space<vmem>> -> memref<1x16x200x16xf32, #tpu.memory_space<vmem>>
        %dma_wait3A_830 = tpu.memref_squeeze %dma_wait3A_829 : memref<1x16x200x16xf32, #tpu.memory_space<vmem>> -> memref<16x200x16xf32, #tpu.memory_space<vmem>>
        %dma_wait3A_831 = arith.constant 0 : i32
        %dma_wait3A_832 = arith.constant 0 : i32
        %dma_wait3A_833 = tpu.memref_slice %arg4[%add3A_824, %dma_wait3A_831, %dma_wait3A_832] : memref<16384x200x16xf32, #tpu.memory_space<hbm>> -> memref<16x200x16xf32, #tpu.memory_space<hbm>>
        %dma_wait3A_834 = arith.constant 0 : i32
        %dma_wait3A_835 = arith.constant 0 : i32
        %dma_wait3A_836 = tpu.memref_slice %arg4[%add3A_824, %dma_wait3A_834, %dma_wait3A_835] : memref<16384x200x16xf32, #tpu.memory_space<hbm>> -> memref<16x200x16xf32, #tpu.memory_space<hbm>>
        %dma_wait3A_837 = arith.constant 0 : i32
        %dma_wait3A_838 = arith.constant 0 : i32
        %dma_wait3A_839 = arith.constant 0 : i32
        %dma_wait3A_840 = tpu.memref_slice %arg6[%dma_wait3A_825, %dma_wait3A_837, %dma_wait3A_838, %dma_wait3A_839] : memref<2x16x200x16xf32, #tpu.memory_space<vmem>> -> memref<1x16x200x16xf32, #tpu.memory_space<vmem>>
        %dma_wait3A_841 = tpu.memref_squeeze %dma_wait3A_840 : memref<1x16x200x16xf32, #tpu.memory_space<vmem>> -> memref<16x200x16xf32, #tpu.memory_space<vmem>>
        tpu.wait_dma2 semaphore(%arg13 : memref<!tpu.dma_semaphore, #tpu.memory_space<semaphore_mem>>) src(%dma_wait3A_841 : memref<16x200x16xf32, #tpu.memory_space<vmem>>) dst(%dma_wait3A_836 : memref<16x200x16xf32, #tpu.memory_space<hbm>>)
      } else {
      }
      %mul3A_569 = arith.constant 16 : i32
      %mul3A_570 = arith.muli %add3A_563, %mul3A_569 : i32
      %add3A_571 = arith.addi %mul3A_2, %mul3A_570 : i32
      %dma_wait3A_572 = arith.constant 1 : i32
      %dma_wait3A_573 = arith.constant 0 : i32
      %dma_wait3A_574 = arith.constant 0 : i32
      %dma_wait3A_575 = tpu.memref_slice %arg5[%dma_wait3A_572, %dma_wait3A_573, %dma_wait3A_574] : memref<2x16x200xi32, #tpu.memory_space<vmem>> -> memref<1x16x200xi32, #tpu.memory_space<vmem>>
      %dma_wait3A_576 = tpu.memref_squeeze %dma_wait3A_575 : memref<1x16x200xi32, #tpu.memory_space<vmem>> -> memref<16x200xi32, #tpu.memory_space<vmem>>
      %dma_wait3A_577 = arith.constant 0 : i32
      %dma_wait3A_578 = tpu.memref_slice %arg2[%add3A_571, %dma_wait3A_577] : memref<16384x200xi32, #tpu.memory_space<hbm>> -> memref<16x200xi32, #tpu.memory_space<hbm>>
      %dma_wait3A_579 = arith.constant 0 : i32
      %dma_wait3A_580 = arith.constant 0 : i32
      %dma_wait3A_581 = tpu.memref_slice %arg5[%dma_wait3A_572, %dma_wait3A_579, %dma_wait3A_580] : memref<2x16x200xi32, #tpu.memory_space<vmem>> -> memref<1x16x200xi32, #tpu.memory_space<vmem>>
      %dma_wait3A_582 = tpu.memref_squeeze %dma_wait3A_581 : memref<1x16x200xi32, #tpu.memory_space<vmem>> -> memref<16x200xi32, #tpu.memory_space<vmem>>
      %dma_wait3A_583 = arith.constant 0 : i32
      %dma_wait3A_584 = tpu.memref_slice %arg2[%add3A_571, %dma_wait3A_583] : memref<16384x200xi32, #tpu.memory_space<hbm>> -> memref<16x200xi32, #tpu.memory_space<hbm>>
      tpu.wait_dma2 semaphore(%arg9 : memref<!tpu.dma_semaphore, #tpu.memory_space<semaphore_mem>>) src(%dma_wait3A_584 : memref<16x200xi32, #tpu.memory_space<hbm>>) dst(%dma_wait3A_582 : memref<16x200xi32, #tpu.memory_space<vmem>>)
      %dma_start3A_585 = arith.constant 1 : i32
      %dma_start3A_586 = arith.constant 0 : i32
      %dma_start3A_587 = arith.constant 1 : i32
      %dma_start3A_588 = arith.constant 0 : i32
      %dma_start3A_589 = arith.constant 0 : i32
      %dma_start3A_590 = arith.constant 0 : i32
      %dma_start3A_591 = tpu.memref_slice %arg6[%dma_start3A_587, %dma_start3A_588, %dma_start3A_589, %dma_start3A_590] : memref<2x16x200x16xf32, #tpu.memory_space<vmem>> -> memref<1x1x200x16xf32, #tpu.memory_space<vmem>>
      %dma_start3A_592 = tpu.memref_squeeze %dma_start3A_591 : memref<1x1x200x16xf32, #tpu.memory_space<vmem>> -> memref<200x16xf32, #tpu.memory_space<vmem>>
      %dma_start3A_593 = arith.constant 0 : i32
      %dma_start3A_594 = tpu.memref_slice %arg5[%dma_start3A_585, %dma_start3A_586, %dma_start3A_593] : memref<2x16x200xi32, #tpu.memory_space<vmem>> -> memref<1x1x200xi32, #tpu.memory_space<vmem>>
      %dma_start3A_595 = tpu.memref_squeeze %dma_start3A_594 : memref<1x1x200xi32, #tpu.memory_space<vmem>> -> memref<200xi32, #tpu.memory_space<vmem>>
      %dma_start3A_596 = arith.constant 0 : i32
      %dma_start3A_597 = arith.constant 0 : i32
      %dma_start3A_598 = tpu.memref_slice %arg7[%dma_start3A_596, %dma_start3A_597] : memref<1024x16xf32, #tpu.memory_space<vmem_shared>> -> memref<1024x16xf32, #tpu.memory_space<vmem_shared>>
      tpu.enqueue_indirect_dma source(%dma_start3A_598 : memref<1024x16xf32, #tpu.memory_space<vmem_shared>>) target(%dma_start3A_592 : memref<200x16xf32, #tpu.memory_space<vmem>>) offsets(%dma_start3A_595 : memref<200xi32, #tpu.memory_space<vmem>>) semaphore(%arg11 : memref<!tpu.dma_semaphore, #tpu.memory_space<semaphore_mem>>)
      %dma_start3A_599 = arith.constant 1 : i32
      %dma_start3A_600 = arith.constant 1 : i32
      %dma_start3A_601 = arith.constant 1 : i32
      %dma_start3A_602 = arith.constant 1 : i32
      %dma_start3A_603 = arith.constant 0 : i32
      %dma_start3A_604 = arith.constant 0 : i32
      %dma_start3A_605 = tpu.memref_slice %arg6[%dma_start3A_601, %dma_start3A_602, %dma_start3A_603, %dma_start3A_604] : memref<2x16x200x16xf32, #tpu.memory_space<vmem>> -> memref<1x1x200x16xf32, #tpu.memory_space<vmem>>
      %dma_start3A_606 = tpu.memref_squeeze %dma_start3A_605 : memref<1x1x200x16xf32, #tpu.memory_space<vmem>> -> memref<200x16xf32, #tpu.memory_space<vmem>>
      %dma_start3A_607 = arith.constant 0 : i32
      %dma_start3A_608 = tpu.memref_slice %arg5[%dma_start3A_599, %dma_start3A_600, %dma_start3A_607] : memref<2x16x200xi32, #tpu.memory_space<vmem>> -> memref<1x1x200xi32, #tpu.memory_space<vmem>>
      %dma_start3A_609 = tpu.memref_squeeze %dma_start3A_608 : memref<1x1x200xi32, #tpu.memory_space<vmem>> -> memref<200xi32, #tpu.memory_space<vmem>>
      %dma_start3A_610 = arith.constant 0 : i32
      %dma_start3A_611 = arith.constant 0 : i32
      %dma_start3A_612 = tpu.memref_slice %arg7[%dma_start3A_610, %dma_start3A_611] : memref<1024x16xf32, #tpu.memory_space<vmem_shared>> -> memref<1024x16xf32, #tpu.memory_space<vmem_shared>>
      tpu.enqueue_indirect_dma source(%dma_start3A_612 : memref<1024x16xf32, #tpu.memory_space<vmem_shared>>) target(%dma_start3A_606 : memref<200x16xf32, #tpu.memory_space<vmem>>) offsets(%dma_start3A_609 : memref<200xi32, #tpu.memory_space<vmem>>) semaphore(%arg11 : memref<!tpu.dma_semaphore, #tpu.memory_space<semaphore_mem>>)
      %dma_start3A_613 = arith.constant 1 : i32
      %dma_start3A_614 = arith.constant 2 : i32
      %dma_start3A_615 = arith.constant 1 : i32
      %dma_start3A_616 = arith.constant 2 : i32
      %dma_start3A_617 = arith.constant 0 : i32
      %dma_start3A_618 = arith.constant 0 : i32
      %dma_start3A_619 = tpu.memref_slice %arg6[%dma_start3A_615, %dma_start3A_616, %dma_start3A_617, %dma_start3A_618] : memref<2x16x200x16xf32, #tpu.memory_space<vmem>> -> memref<1x1x200x16xf32, #tpu.memory_space<vmem>>
      %dma_start3A_620 = tpu.memref_squeeze %dma_start3A_619 : memref<1x1x200x16xf32, #tpu.memory_space<vmem>> -> memref<200x16xf32, #tpu.memory_space<vmem>>
      %dma_start3A_621 = arith.constant 0 : i32
      %dma_start3A_622 = tpu.memref_slice %arg5[%dma_start3A_613, %dma_start3A_614, %dma_start3A_621] : memref<2x16x200xi32, #tpu.memory_space<vmem>> -> memref<1x1x200xi32, #tpu.memory_space<vmem>>
      %dma_start3A_623 = tpu.memref_squeeze %dma_start3A_622 : memref<1x1x200xi32, #tpu.memory_space<vmem>> -> memref<200xi32, #tpu.memory_space<vmem>>
      %dma_start3A_624 = arith.constant 0 : i32
      %dma_start3A_625 = arith.constant 0 : i32
      %dma_start3A_626 = tpu.memref_slice %arg7[%dma_start3A_624, %dma_start3A_625] : memref<1024x16xf32, #tpu.memory_space<vmem_shared>> -> memref<1024x16xf32, #tpu.memory_space<vmem_shared>>
      tpu.enqueue_indirect_dma source(%dma_start3A_626 : memref<1024x16xf32, #tpu.memory_space<vmem_shared>>) target(%dma_start3A_620 : memref<200x16xf32, #tpu.memory_space<vmem>>) offsets(%dma_start3A_623 : memref<200xi32, #tpu.memory_space<vmem>>) semaphore(%arg11 : memref<!tpu.dma_semaphore, #tpu.memory_space<semaphore_mem>>)
      %dma_start3A_627 = arith.constant 1 : i32
      %dma_start3A_628 = arith.constant 3 : i32
      %dma_start3A_629 = arith.constant 1 : i32
      %dma_start3A_630 = arith.constant 3 : i32
      %dma_start3A_631 = arith.constant 0 : i32
      %dma_start3A_632 = arith.constant 0 : i32
      %dma_start3A_633 = tpu.memref_slice %arg6[%dma_start3A_629, %dma_start3A_630, %dma_start3A_631, %dma_start3A_632] : memref<2x16x200x16xf32, #tpu.memory_space<vmem>> -> memref<1x1x200x16xf32, #tpu.memory_space<vmem>>
      %dma_start3A_634 = tpu.memref_squeeze %dma_start3A_633 : memref<1x1x200x16xf32, #tpu.memory_space<vmem>> -> memref<200x16xf32, #tpu.memory_space<vmem>>
      %dma_start3A_635 = arith.constant 0 : i32
      %dma_start3A_636 = tpu.memref_slice %arg5[%dma_start3A_627, %dma_start3A_628, %dma_start3A_635] : memref<2x16x200xi32, #tpu.memory_space<vmem>> -> memref<1x1x200xi32, #tpu.memory_space<vmem>>
      %dma_start3A_637 = tpu.memref_squeeze %dma_start3A_636 : memref<1x1x200xi32, #tpu.memory_space<vmem>> -> memref<200xi32, #tpu.memory_space<vmem>>
      %dma_start3A_638 = arith.constant 0 : i32
      %dma_start3A_639 = arith.constant 0 : i32
      %dma_start3A_640 = tpu.memref_slice %arg7[%dma_start3A_638, %dma_start3A_639] : memref<1024x16xf32, #tpu.memory_space<vmem_shared>> -> memref<1024x16xf32, #tpu.memory_space<vmem_shared>>
      tpu.enqueue_indirect_dma source(%dma_start3A_640 : memref<1024x16xf32, #tpu.memory_space<vmem_shared>>) target(%dma_start3A_634 : memref<200x16xf32, #tpu.memory_space<vmem>>) offsets(%dma_start3A_637 : memref<200xi32, #tpu.memory_space<vmem>>) semaphore(%arg11 : memref<!tpu.dma_semaphore, #tpu.memory_space<semaphore_mem>>)
      %dma_start3A_641 = arith.constant 1 : i32
      %dma_start3A_642 = arith.constant 4 : i32
      %dma_start3A_643 = arith.constant 1 : i32
      %dma_start3A_644 = arith.constant 4 : i32
      %dma_start3A_645 = arith.constant 0 : i32
      %dma_start3A_646 = arith.constant 0 : i32
      %dma_start3A_647 = tpu.memref_slice %arg6[%dma_start3A_643, %dma_start3A_644, %dma_start3A_645, %dma_start3A_646] : memref<2x16x200x16xf32, #tpu.memory_space<vmem>> -> memref<1x1x200x16xf32, #tpu.memory_space<vmem>>
      %dma_start3A_648 = tpu.memref_squeeze %dma_start3A_647 : memref<1x1x200x16xf32, #tpu.memory_space<vmem>> -> memref<200x16xf32, #tpu.memory_space<vmem>>
      %dma_start3A_649 = arith.constant 0 : i32
      %dma_start3A_650 = tpu.memref_slice %arg5[%dma_start3A_641, %dma_start3A_642, %dma_start3A_649] : memref<2x16x200xi32, #tpu.memory_space<vmem>> -> memref<1x1x200xi32, #tpu.memory_space<vmem>>
      %dma_start3A_651 = tpu.memref_squeeze %dma_start3A_650 : memref<1x1x200xi32, #tpu.memory_space<vmem>> -> memref<200xi32, #tpu.memory_space<vmem>>
      %dma_start3A_652 = arith.constant 0 : i32
      %dma_start3A_653 = arith.constant 0 : i32
      %dma_start3A_654 = tpu.memref_slice %arg7[%dma_start3A_652, %dma_start3A_653] : memref<1024x16xf32, #tpu.memory_space<vmem_shared>> -> memref<1024x16xf32, #tpu.memory_space<vmem_shared>>
      tpu.enqueue_indirect_dma source(%dma_start3A_654 : memref<1024x16xf32, #tpu.memory_space<vmem_shared>>) target(%dma_start3A_648 : memref<200x16xf32, #tpu.memory_space<vmem>>) offsets(%dma_start3A_651 : memref<200xi32, #tpu.memory_space<vmem>>) semaphore(%arg11 : memref<!tpu.dma_semaphore, #tpu.memory_space<semaphore_mem>>)
      %dma_start3A_655 = arith.constant 1 : i32
      %dma_start3A_656 = arith.constant 5 : i32
      %dma_start3A_657 = arith.constant 1 : i32
      %dma_start3A_658 = arith.constant 5 : i32
      %dma_start3A_659 = arith.constant 0 : i32
      %dma_start3A_660 = arith.constant 0 : i32
      %dma_start3A_661 = tpu.memref_slice %arg6[%dma_start3A_657, %dma_start3A_658, %dma_start3A_659, %dma_start3A_660] : memref<2x16x200x16xf32, #tpu.memory_space<vmem>> -> memref<1x1x200x16xf32, #tpu.memory_space<vmem>>
      %dma_start3A_662 = tpu.memref_squeeze %dma_start3A_661 : memref<1x1x200x16xf32, #tpu.memory_space<vmem>> -> memref<200x16xf32, #tpu.memory_space<vmem>>
      %dma_start3A_663 = arith.constant 0 : i32
      %dma_start3A_664 = tpu.memref_slice %arg5[%dma_start3A_655, %dma_start3A_656, %dma_start3A_663] : memref<2x16x200xi32, #tpu.memory_space<vmem>> -> memref<1x1x200xi32, #tpu.memory_space<vmem>>
      %dma_start3A_665 = tpu.memref_squeeze %dma_start3A_664 : memref<1x1x200xi32, #tpu.memory_space<vmem>> -> memref<200xi32, #tpu.memory_space<vmem>>
      %dma_start3A_666 = arith.constant 0 : i32
      %dma_start3A_667 = arith.constant 0 : i32
      %dma_start3A_668 = tpu.memref_slice %arg7[%dma_start3A_666, %dma_start3A_667] : memref<1024x16xf32, #tpu.memory_space<vmem_shared>> -> memref<1024x16xf32, #tpu.memory_space<vmem_shared>>
      tpu.enqueue_indirect_dma source(%dma_start3A_668 : memref<1024x16xf32, #tpu.memory_space<vmem_shared>>) target(%dma_start3A_662 : memref<200x16xf32, #tpu.memory_space<vmem>>) offsets(%dma_start3A_665 : memref<200xi32, #tpu.memory_space<vmem>>) semaphore(%arg11 : memref<!tpu.dma_semaphore, #tpu.memory_space<semaphore_mem>>)
      %dma_start3A_669 = arith.constant 1 : i32
      %dma_start3A_670 = arith.constant 6 : i32
      %dma_start3A_671 = arith.constant 1 : i32
      %dma_start3A_672 = arith.constant 6 : i32
      %dma_start3A_673 = arith.constant 0 : i32
      %dma_start3A_674 = arith.constant 0 : i32
      %dma_start3A_675 = tpu.memref_slice %arg6[%dma_start3A_671, %dma_start3A_672, %dma_start3A_673, %dma_start3A_674] : memref<2x16x200x16xf32, #tpu.memory_space<vmem>> -> memref<1x1x200x16xf32, #tpu.memory_space<vmem>>
      %dma_start3A_676 = tpu.memref_squeeze %dma_start3A_675 : memref<1x1x200x16xf32, #tpu.memory_space<vmem>> -> memref<200x16xf32, #tpu.memory_space<vmem>>
      %dma_start3A_677 = arith.constant 0 : i32
      %dma_start3A_678 = tpu.memref_slice %arg5[%dma_start3A_669, %dma_start3A_670, %dma_start3A_677] : memref<2x16x200xi32, #tpu.memory_space<vmem>> -> memref<1x1x200xi32, #tpu.memory_space<vmem>>
      %dma_start3A_679 = tpu.memref_squeeze %dma_start3A_678 : memref<1x1x200xi32, #tpu.memory_space<vmem>> -> memref<200xi32, #tpu.memory_space<vmem>>
      %dma_start3A_680 = arith.constant 0 : i32
      %dma_start3A_681 = arith.constant 0 : i32
      %dma_start3A_682 = tpu.memref_slice %arg7[%dma_start3A_680, %dma_start3A_681] : memref<1024x16xf32, #tpu.memory_space<vmem_shared>> -> memref<1024x16xf32, #tpu.memory_space<vmem_shared>>
      tpu.enqueue_indirect_dma source(%dma_start3A_682 : memref<1024x16xf32, #tpu.memory_space<vmem_shared>>) target(%dma_start3A_676 : memref<200x16xf32, #tpu.memory_space<vmem>>) offsets(%dma_start3A_679 : memref<200xi32, #tpu.memory_space<vmem>>) semaphore(%arg11 : memref<!tpu.dma_semaphore, #tpu.memory_space<semaphore_mem>>)
      %dma_start3A_683 = arith.constant 1 : i32
      %dma_start3A_684 = arith.constant 7 : i32
      %dma_start3A_685 = arith.constant 1 : i32
      %dma_start3A_686 = arith.constant 7 : i32
      %dma_start3A_687 = arith.constant 0 : i32
      %dma_start3A_688 = arith.constant 0 : i32
      %dma_start3A_689 = tpu.memref_slice %arg6[%dma_start3A_685, %dma_start3A_686, %dma_start3A_687, %dma_start3A_688] : memref<2x16x200x16xf32, #tpu.memory_space<vmem>> -> memref<1x1x200x16xf32, #tpu.memory_space<vmem>>
      %dma_start3A_690 = tpu.memref_squeeze %dma_start3A_689 : memref<1x1x200x16xf32, #tpu.memory_space<vmem>> -> memref<200x16xf32, #tpu.memory_space<vmem>>
      %dma_start3A_691 = arith.constant 0 : i32
      %dma_start3A_692 = tpu.memref_slice %arg5[%dma_start3A_683, %dma_start3A_684, %dma_start3A_691] : memref<2x16x200xi32, #tpu.memory_space<vmem>> -> memref<1x1x200xi32, #tpu.memory_space<vmem>>
      %dma_start3A_693 = tpu.memref_squeeze %dma_start3A_692 : memref<1x1x200xi32, #tpu.memory_space<vmem>> -> memref<200xi32, #tpu.memory_space<vmem>>
      %dma_start3A_694 = arith.constant 0 : i32
      %dma_start3A_695 = arith.constant 0 : i32
      %dma_start3A_696 = tpu.memref_slice %arg7[%dma_start3A_694, %dma_start3A_695] : memref<1024x16xf32, #tpu.memory_space<vmem_shared>> -> memref<1024x16xf32, #tpu.memory_space<vmem_shared>>
      tpu.enqueue_indirect_dma source(%dma_start3A_696 : memref<1024x16xf32, #tpu.memory_space<vmem_shared>>) target(%dma_start3A_690 : memref<200x16xf32, #tpu.memory_space<vmem>>) offsets(%dma_start3A_693 : memref<200xi32, #tpu.memory_space<vmem>>) semaphore(%arg11 : memref<!tpu.dma_semaphore, #tpu.memory_space<semaphore_mem>>)
      %dma_start3A_697 = arith.constant 1 : i32
      %dma_start3A_698 = arith.constant 8 : i32
      %dma_start3A_699 = arith.constant 1 : i32
      %dma_start3A_700 = arith.constant 8 : i32
      %dma_start3A_701 = arith.constant 0 : i32
      %dma_start3A_702 = arith.constant 0 : i32
      %dma_start3A_703 = tpu.memref_slice %arg6[%dma_start3A_699, %dma_start3A_700, %dma_start3A_701, %dma_start3A_702] : memref<2x16x200x16xf32, #tpu.memory_space<vmem>> -> memref<1x1x200x16xf32, #tpu.memory_space<vmem>>
      %dma_start3A_704 = tpu.memref_squeeze %dma_start3A_703 : memref<1x1x200x16xf32, #tpu.memory_space<vmem>> -> memref<200x16xf32, #tpu.memory_space<vmem>>
      %dma_start3A_705 = arith.constant 0 : i32
      %dma_start3A_706 = tpu.memref_slice %arg5[%dma_start3A_697, %dma_start3A_698, %dma_start3A_705] : memref<2x16x200xi32, #tpu.memory_space<vmem>> -> memref<1x1x200xi32, #tpu.memory_space<vmem>>
      %dma_start3A_707 = tpu.memref_squeeze %dma_start3A_706 : memref<1x1x200xi32, #tpu.memory_space<vmem>> -> memref<200xi32, #tpu.memory_space<vmem>>
      %dma_start3A_708 = arith.constant 0 : i32
      %dma_start3A_709 = arith.constant 0 : i32
      %dma_start3A_710 = tpu.memref_slice %arg7[%dma_start3A_708, %dma_start3A_709] : memref<1024x16xf32, #tpu.memory_space<vmem_shared>> -> memref<1024x16xf32, #tpu.memory_space<vmem_shared>>
      tpu.enqueue_indirect_dma source(%dma_start3A_710 : memref<1024x16xf32, #tpu.memory_space<vmem_shared>>) target(%dma_start3A_704 : memref<200x16xf32, #tpu.memory_space<vmem>>) offsets(%dma_start3A_707 : memref<200xi32, #tpu.memory_space<vmem>>) semaphore(%arg11 : memref<!tpu.dma_semaphore, #tpu.memory_space<semaphore_mem>>)
      %dma_start3A_711 = arith.constant 1 : i32
      %dma_start3A_712 = arith.constant 9 : i32
      %dma_start3A_713 = arith.constant 1 : i32
      %dma_start3A_714 = arith.constant 9 : i32
      %dma_start3A_715 = arith.constant 0 : i32
      %dma_start3A_716 = arith.constant 0 : i32
      %dma_start3A_717 = tpu.memref_slice %arg6[%dma_start3A_713, %dma_start3A_714, %dma_start3A_715, %dma_start3A_716] : memref<2x16x200x16xf32, #tpu.memory_space<vmem>> -> memref<1x1x200x16xf32, #tpu.memory_space<vmem>>
      %dma_start3A_718 = tpu.memref_squeeze %dma_start3A_717 : memref<1x1x200x16xf32, #tpu.memory_space<vmem>> -> memref<200x16xf32, #tpu.memory_space<vmem>>
      %dma_start3A_719 = arith.constant 0 : i32
      %dma_start3A_720 = tpu.memref_slice %arg5[%dma_start3A_711, %dma_start3A_712, %dma_start3A_719] : memref<2x16x200xi32, #tpu.memory_space<vmem>> -> memref<1x1x200xi32, #tpu.memory_space<vmem>>
      %dma_start3A_721 = tpu.memref_squeeze %dma_start3A_720 : memref<1x1x200xi32, #tpu.memory_space<vmem>> -> memref<200xi32, #tpu.memory_space<vmem>>
      %dma_start3A_722 = arith.constant 0 : i32
      %dma_start3A_723 = arith.constant 0 : i32
      %dma_start3A_724 = tpu.memref_slice %arg7[%dma_start3A_722, %dma_start3A_723] : memref<1024x16xf32, #tpu.memory_space<vmem_shared>> -> memref<1024x16xf32, #tpu.memory_space<vmem_shared>>
      tpu.enqueue_indirect_dma source(%dma_start3A_724 : memref<1024x16xf32, #tpu.memory_space<vmem_shared>>) target(%dma_start3A_718 : memref<200x16xf32, #tpu.memory_space<vmem>>) offsets(%dma_start3A_721 : memref<200xi32, #tpu.memory_space<vmem>>) semaphore(%arg11 : memref<!tpu.dma_semaphore, #tpu.memory_space<semaphore_mem>>)
      %dma_start3A_725 = arith.constant 1 : i32
      %dma_start3A_726 = arith.constant 10 : i32
      %dma_start3A_727 = arith.constant 1 : i32
      %dma_start3A_728 = arith.constant 10 : i32
      %dma_start3A_729 = arith.constant 0 : i32
      %dma_start3A_730 = arith.constant 0 : i32
      %dma_start3A_731 = tpu.memref_slice %arg6[%dma_start3A_727, %dma_start3A_728, %dma_start3A_729, %dma_start3A_730] : memref<2x16x200x16xf32, #tpu.memory_space<vmem>> -> memref<1x1x200x16xf32, #tpu.memory_space<vmem>>
      %dma_start3A_732 = tpu.memref_squeeze %dma_start3A_731 : memref<1x1x200x16xf32, #tpu.memory_space<vmem>> -> memref<200x16xf32, #tpu.memory_space<vmem>>
      %dma_start3A_733 = arith.constant 0 : i32
      %dma_start3A_734 = tpu.memref_slice %arg5[%dma_start3A_725, %dma_start3A_726, %dma_start3A_733] : memref<2x16x200xi32, #tpu.memory_space<vmem>> -> memref<1x1x200xi32, #tpu.memory_space<vmem>>
      %dma_start3A_735 = tpu.memref_squeeze %dma_start3A_734 : memref<1x1x200xi32, #tpu.memory_space<vmem>> -> memref<200xi32, #tpu.memory_space<vmem>>
      %dma_start3A_736 = arith.constant 0 : i32
      %dma_start3A_737 = arith.constant 0 : i32
      %dma_start3A_738 = tpu.memref_slice %arg7[%dma_start3A_736, %dma_start3A_737] : memref<1024x16xf32, #tpu.memory_space<vmem_shared>> -> memref<1024x16xf32, #tpu.memory_space<vmem_shared>>
      tpu.enqueue_indirect_dma source(%dma_start3A_738 : memref<1024x16xf32, #tpu.memory_space<vmem_shared>>) target(%dma_start3A_732 : memref<200x16xf32, #tpu.memory_space<vmem>>) offsets(%dma_start3A_735 : memref<200xi32, #tpu.memory_space<vmem>>) semaphore(%arg11 : memref<!tpu.dma_semaphore, #tpu.memory_space<semaphore_mem>>)
      %dma_start3A_739 = arith.constant 1 : i32
      %dma_start3A_740 = arith.constant 11 : i32
      %dma_start3A_741 = arith.constant 1 : i32
      %dma_start3A_742 = arith.constant 11 : i32
      %dma_start3A_743 = arith.constant 0 : i32
      %dma_start3A_744 = arith.constant 0 : i32
      %dma_start3A_745 = tpu.memref_slice %arg6[%dma_start3A_741, %dma_start3A_742, %dma_start3A_743, %dma_start3A_744] : memref<2x16x200x16xf32, #tpu.memory_space<vmem>> -> memref<1x1x200x16xf32, #tpu.memory_space<vmem>>
      %dma_start3A_746 = tpu.memref_squeeze %dma_start3A_745 : memref<1x1x200x16xf32, #tpu.memory_space<vmem>> -> memref<200x16xf32, #tpu.memory_space<vmem>>
      %dma_start3A_747 = arith.constant 0 : i32
      %dma_start3A_748 = tpu.memref_slice %arg5[%dma_start3A_739, %dma_start3A_740, %dma_start3A_747] : memref<2x16x200xi32, #tpu.memory_space<vmem>> -> memref<1x1x200xi32, #tpu.memory_space<vmem>>
      %dma_start3A_749 = tpu.memref_squeeze %dma_start3A_748 : memref<1x1x200xi32, #tpu.memory_space<vmem>> -> memref<200xi32, #tpu.memory_space<vmem>>
      %dma_start3A_750 = arith.constant 0 : i32
      %dma_start3A_751 = arith.constant 0 : i32
      %dma_start3A_752 = tpu.memref_slice %arg7[%dma_start3A_750, %dma_start3A_751] : memref<1024x16xf32, #tpu.memory_space<vmem_shared>> -> memref<1024x16xf32, #tpu.memory_space<vmem_shared>>
      tpu.enqueue_indirect_dma source(%dma_start3A_752 : memref<1024x16xf32, #tpu.memory_space<vmem_shared>>) target(%dma_start3A_746 : memref<200x16xf32, #tpu.memory_space<vmem>>) offsets(%dma_start3A_749 : memref<200xi32, #tpu.memory_space<vmem>>) semaphore(%arg11 : memref<!tpu.dma_semaphore, #tpu.memory_space<semaphore_mem>>)
      %dma_start3A_753 = arith.constant 1 : i32
      %dma_start3A_754 = arith.constant 12 : i32
      %dma_start3A_755 = arith.constant 1 : i32
      %dma_start3A_756 = arith.constant 12 : i32
      %dma_start3A_757 = arith.constant 0 : i32
      %dma_start3A_758 = arith.constant 0 : i32
      %dma_start3A_759 = tpu.memref_slice %arg6[%dma_start3A_755, %dma_start3A_756, %dma_start3A_757, %dma_start3A_758] : memref<2x16x200x16xf32, #tpu.memory_space<vmem>> -> memref<1x1x200x16xf32, #tpu.memory_space<vmem>>
      %dma_start3A_760 = tpu.memref_squeeze %dma_start3A_759 : memref<1x1x200x16xf32, #tpu.memory_space<vmem>> -> memref<200x16xf32, #tpu.memory_space<vmem>>
      %dma_start3A_761 = arith.constant 0 : i32
      %dma_start3A_762 = tpu.memref_slice %arg5[%dma_start3A_753, %dma_start3A_754, %dma_start3A_761] : memref<2x16x200xi32, #tpu.memory_space<vmem>> -> memref<1x1x200xi32, #tpu.memory_space<vmem>>
      %dma_start3A_763 = tpu.memref_squeeze %dma_start3A_762 : memref<1x1x200xi32, #tpu.memory_space<vmem>> -> memref<200xi32, #tpu.memory_space<vmem>>
      %dma_start3A_764 = arith.constant 0 : i32
      %dma_start3A_765 = arith.constant 0 : i32
      %dma_start3A_766 = tpu.memref_slice %arg7[%dma_start3A_764, %dma_start3A_765] : memref<1024x16xf32, #tpu.memory_space<vmem_shared>> -> memref<1024x16xf32, #tpu.memory_space<vmem_shared>>
      tpu.enqueue_indirect_dma source(%dma_start3A_766 : memref<1024x16xf32, #tpu.memory_space<vmem_shared>>) target(%dma_start3A_760 : memref<200x16xf32, #tpu.memory_space<vmem>>) offsets(%dma_start3A_763 : memref<200xi32, #tpu.memory_space<vmem>>) semaphore(%arg11 : memref<!tpu.dma_semaphore, #tpu.memory_space<semaphore_mem>>)
      %dma_start3A_767 = arith.constant 1 : i32
      %dma_start3A_768 = arith.constant 13 : i32
      %dma_start3A_769 = arith.constant 1 : i32
      %dma_start3A_770 = arith.constant 13 : i32
      %dma_start3A_771 = arith.constant 0 : i32
      %dma_start3A_772 = arith.constant 0 : i32
      %dma_start3A_773 = tpu.memref_slice %arg6[%dma_start3A_769, %dma_start3A_770, %dma_start3A_771, %dma_start3A_772] : memref<2x16x200x16xf32, #tpu.memory_space<vmem>> -> memref<1x1x200x16xf32, #tpu.memory_space<vmem>>
      %dma_start3A_774 = tpu.memref_squeeze %dma_start3A_773 : memref<1x1x200x16xf32, #tpu.memory_space<vmem>> -> memref<200x16xf32, #tpu.memory_space<vmem>>
      %dma_start3A_775 = arith.constant 0 : i32
      %dma_start3A_776 = tpu.memref_slice %arg5[%dma_start3A_767, %dma_start3A_768, %dma_start3A_775] : memref<2x16x200xi32, #tpu.memory_space<vmem>> -> memref<1x1x200xi32, #tpu.memory_space<vmem>>
      %dma_start3A_777 = tpu.memref_squeeze %dma_start3A_776 : memref<1x1x200xi32, #tpu.memory_space<vmem>> -> memref<200xi32, #tpu.memory_space<vmem>>
      %dma_start3A_778 = arith.constant 0 : i32
      %dma_start3A_779 = arith.constant 0 : i32
      %dma_start3A_780 = tpu.memref_slice %arg7[%dma_start3A_778, %dma_start3A_779] : memref<1024x16xf32, #tpu.memory_space<vmem_shared>> -> memref<1024x16xf32, #tpu.memory_space<vmem_shared>>
      tpu.enqueue_indirect_dma source(%dma_start3A_780 : memref<1024x16xf32, #tpu.memory_space<vmem_shared>>) target(%dma_start3A_774 : memref<200x16xf32, #tpu.memory_space<vmem>>) offsets(%dma_start3A_777 : memref<200xi32, #tpu.memory_space<vmem>>) semaphore(%arg11 : memref<!tpu.dma_semaphore, #tpu.memory_space<semaphore_mem>>)
      %dma_start3A_781 = arith.constant 1 : i32
      %dma_start3A_782 = arith.constant 14 : i32
      %dma_start3A_783 = arith.constant 1 : i32
      %dma_start3A_784 = arith.constant 14 : i32
      %dma_start3A_785 = arith.constant 0 : i32
      %dma_start3A_786 = arith.constant 0 : i32
      %dma_start3A_787 = tpu.memref_slice %arg6[%dma_start3A_783, %dma_start3A_784, %dma_start3A_785, %dma_start3A_786] : memref<2x16x200x16xf32, #tpu.memory_space<vmem>> -> memref<1x1x200x16xf32, #tpu.memory_space<vmem>>
      %dma_start3A_788 = tpu.memref_squeeze %dma_start3A_787 : memref<1x1x200x16xf32, #tpu.memory_space<vmem>> -> memref<200x16xf32, #tpu.memory_space<vmem>>
      %dma_start3A_789 = arith.constant 0 : i32
      %dma_start3A_790 = tpu.memref_slice %arg5[%dma_start3A_781, %dma_start3A_782, %dma_start3A_789] : memref<2x16x200xi32, #tpu.memory_space<vmem>> -> memref<1x1x200xi32, #tpu.memory_space<vmem>>
      %dma_start3A_791 = tpu.memref_squeeze %dma_start3A_790 : memref<1x1x200xi32, #tpu.memory_space<vmem>> -> memref<200xi32, #tpu.memory_space<vmem>>
      %dma_start3A_792 = arith.constant 0 : i32
      %dma_start3A_793 = arith.constant 0 : i32
      %dma_start3A_794 = tpu.memref_slice %arg7[%dma_start3A_792, %dma_start3A_793] : memref<1024x16xf32, #tpu.memory_space<vmem_shared>> -> memref<1024x16xf32, #tpu.memory_space<vmem_shared>>
      tpu.enqueue_indirect_dma source(%dma_start3A_794 : memref<1024x16xf32, #tpu.memory_space<vmem_shared>>) target(%dma_start3A_788 : memref<200x16xf32, #tpu.memory_space<vmem>>) offsets(%dma_start3A_791 : memref<200xi32, #tpu.memory_space<vmem>>) semaphore(%arg11 : memref<!tpu.dma_semaphore, #tpu.memory_space<semaphore_mem>>)
      %dma_start3A_795 = arith.constant 1 : i32
      %dma_start3A_796 = arith.constant 15 : i32
      %dma_start3A_797 = arith.constant 1 : i32
      %dma_start3A_798 = arith.constant 15 : i32
      %dma_start3A_799 = arith.constant 0 : i32
      %dma_start3A_800 = arith.constant 0 : i32
      %dma_start3A_801 = tpu.memref_slice %arg6[%dma_start3A_797, %dma_start3A_798, %dma_start3A_799, %dma_start3A_800] : memref<2x16x200x16xf32, #tpu.memory_space<vmem>> -> memref<1x1x200x16xf32, #tpu.memory_space<vmem>>
      %dma_start3A_802 = tpu.memref_squeeze %dma_start3A_801 : memref<1x1x200x16xf32, #tpu.memory_space<vmem>> -> memref<200x16xf32, #tpu.memory_space<vmem>>
      %dma_start3A_803 = arith.constant 0 : i32
      %dma_start3A_804 = tpu.memref_slice %arg5[%dma_start3A_795, %dma_start3A_796, %dma_start3A_803] : memref<2x16x200xi32, #tpu.memory_space<vmem>> -> memref<1x1x200xi32, #tpu.memory_space<vmem>>
      %dma_start3A_805 = tpu.memref_squeeze %dma_start3A_804 : memref<1x1x200xi32, #tpu.memory_space<vmem>> -> memref<200xi32, #tpu.memory_space<vmem>>
      %dma_start3A_806 = arith.constant 0 : i32
      %dma_start3A_807 = arith.constant 0 : i32
      %dma_start3A_808 = tpu.memref_slice %arg7[%dma_start3A_806, %dma_start3A_807] : memref<1024x16xf32, #tpu.memory_space<vmem_shared>> -> memref<1024x16xf32, #tpu.memory_space<vmem_shared>>
      tpu.enqueue_indirect_dma source(%dma_start3A_808 : memref<1024x16xf32, #tpu.memory_space<vmem_shared>>) target(%dma_start3A_802 : memref<200x16xf32, #tpu.memory_space<vmem>>) offsets(%dma_start3A_805 : memref<200xi32, #tpu.memory_space<vmem>>) semaphore(%arg11 : memref<!tpu.dma_semaphore, #tpu.memory_space<semaphore_mem>>)
      %ge3A_809 = arith.constant 1 : i32
      %ge3A_810 = arith.cmpi sge, %add3A_563, %ge3A_809 : i32
      %convert_element_type3A_811 = arith.extui %ge3A_810 : i1 to i32
      %cond3A_812 = arith.constant 0 : i32
      %cond3A_813 = arith.cmpi ne, %convert_element_type3A_811, %cond3A_812 : i32
      scf.if %cond3A_813 {
        %dma_wait3A_821 = arith.constant 0 : i32
        %dma_wait3A_822 = arith.constant 0 : i32
        %dma_wait3A_823 = arith.constant 0 : i32
        %dma_wait3A_824 = arith.constant 0 : i32
        %dma_wait3A_825 = arith.constant 0 : i32
        %dma_wait3A_826 = arith.constant 0 : i32
        %dma_wait3A_827 = tpu.memref_slice %arg6[%dma_wait3A_823, %dma_wait3A_824, %dma_wait3A_825, %dma_wait3A_826] : memref<2x16x200x16xf32, #tpu.memory_space<vmem>> -> memref<1x1x200x16xf32, #tpu.memory_space<vmem>>
        %dma_wait3A_828 = tpu.memref_squeeze %dma_wait3A_827 : memref<1x1x200x16xf32, #tpu.memory_space<vmem>> -> memref<200x16xf32, #tpu.memory_space<vmem>>
        %dma_wait3A_829 = arith.constant 0 : i32
        %dma_wait3A_830 = tpu.memref_slice %arg5[%dma_wait3A_821, %dma_wait3A_822, %dma_wait3A_829] : memref<2x16x200xi32, #tpu.memory_space<vmem>> -> memref<1x1x200xi32, #tpu.memory_space<vmem>>
        %dma_wait3A_831 = tpu.memref_squeeze %dma_wait3A_830 : memref<1x1x200xi32, #tpu.memory_space<vmem>> -> memref<200xi32, #tpu.memory_space<vmem>>
        %dma_wait3A_832 = arith.constant 0 : i32
        %dma_wait3A_833 = arith.constant 0 : i32
        %dma_wait3A_834 = tpu.memref_slice %arg7[%dma_wait3A_832, %dma_wait3A_833] : memref<1024x16xf32, #tpu.memory_space<vmem_shared>> -> memref<1024x16xf32, #tpu.memory_space<vmem_shared>>
        tpu.wait_indirect_dma semaphore(%arg10 : memref<!tpu.dma_semaphore, #tpu.memory_space<semaphore_mem>>) src(%dma_wait3A_834 : memref<1024x16xf32, #tpu.memory_space<vmem_shared>>) dst(%dma_wait3A_828 : memref<200x16xf32, #tpu.memory_space<vmem>>)
        %dma_wait3A_835 = arith.constant 0 : i32
        %dma_wait3A_836 = arith.constant 1 : i32
        %dma_wait3A_837 = arith.constant 0 : i32
        %dma_wait3A_838 = arith.constant 1 : i32
        %dma_wait3A_839 = arith.constant 0 : i32
        %dma_wait3A_840 = arith.constant 0 : i32
        %dma_wait3A_841 = tpu.memref_slice %arg6[%dma_wait3A_837, %dma_wait3A_838, %dma_wait3A_839, %dma_wait3A_840] : memref<2x16x200x16xf32, #tpu.memory_space<vmem>> -> memref<1x1x200x16xf32, #tpu.memory_space<vmem>>
        %dma_wait3A_842 = tpu.memref_squeeze %dma_wait3A_841 : memref<1x1x200x16xf32, #tpu.memory_space<vmem>> -> memref<200x16xf32, #tpu.memory_space<vmem>>
        %dma_wait3A_843 = arith.constant 0 : i32
        %dma_wait3A_844 = tpu.memref_slice %arg5[%dma_wait3A_835, %dma_wait3A_836, %dma_wait3A_843] : memref<2x16x200xi32, #tpu.memory_space<vmem>> -> memref<1x1x200xi32, #tpu.memory_space<vmem>>
        %dma_wait3A_845 = tpu.memref_squeeze %dma_wait3A_844 : memref<1x1x200xi32, #tpu.memory_space<vmem>> -> memref<200xi32, #tpu.memory_space<vmem>>
        %dma_wait3A_846 = arith.constant 0 : i32
        %dma_wait3A_847 = arith.constant 0 : i32
        %dma_wait3A_848 = tpu.memref_slice %arg7[%dma_wait3A_846, %dma_wait3A_847] : memref<1024x16xf32, #tpu.memory_space<vmem_shared>> -> memref<1024x16xf32, #tpu.memory_space<vmem_shared>>
        tpu.wait_indirect_dma semaphore(%arg10 : memref<!tpu.dma_semaphore, #tpu.memory_space<semaphore_mem>>) src(%dma_wait3A_848 : memref<1024x16xf32, #tpu.memory_space<vmem_shared>>) dst(%dma_wait3A_842 : memref<200x16xf32, #tpu.memory_space<vmem>>)
        %dma_wait3A_849 = arith.constant 0 : i32
        %dma_wait3A_850 = arith.constant 2 : i32
        %dma_wait3A_851 = arith.constant 0 : i32
        %dma_wait3A_852 = arith.constant 2 : i32
        %dma_wait3A_853 = arith.constant 0 : i32
        %dma_wait3A_854 = arith.constant 0 : i32
        %dma_wait3A_855 = tpu.memref_slice %arg6[%dma_wait3A_851, %dma_wait3A_852, %dma_wait3A_853, %dma_wait3A_854] : memref<2x16x200x16xf32, #tpu.memory_space<vmem>> -> memref<1x1x200x16xf32, #tpu.memory_space<vmem>>
        %dma_wait3A_856 = tpu.memref_squeeze %dma_wait3A_855 : memref<1x1x200x16xf32, #tpu.memory_space<vmem>> -> memref<200x16xf32, #tpu.memory_space<vmem>>
        %dma_wait3A_857 = arith.constant 0 : i32
        %dma_wait3A_858 = tpu.memref_slice %arg5[%dma_wait3A_849, %dma_wait3A_850, %dma_wait3A_857] : memref<2x16x200xi32, #tpu.memory_space<vmem>> -> memref<1x1x200xi32, #tpu.memory_space<vmem>>
        %dma_wait3A_859 = tpu.memref_squeeze %dma_wait3A_858 : memref<1x1x200xi32, #tpu.memory_space<vmem>> -> memref<200xi32, #tpu.memory_space<vmem>>
        %dma_wait3A_860 = arith.constant 0 : i32
        %dma_wait3A_861 = arith.constant 0 : i32
        %dma_wait3A_862 = tpu.memref_slice %arg7[%dma_wait3A_860, %dma_wait3A_861] : memref<1024x16xf32, #tpu.memory_space<vmem_shared>> -> memref<1024x16xf32, #tpu.memory_space<vmem_shared>>
        tpu.wait_indirect_dma semaphore(%arg10 : memref<!tpu.dma_semaphore, #tpu.memory_space<semaphore_mem>>) src(%dma_wait3A_862 : memref<1024x16xf32, #tpu.memory_space<vmem_shared>>) dst(%dma_wait3A_856 : memref<200x16xf32, #tpu.memory_space<vmem>>)
        %dma_wait3A_863 = arith.constant 0 : i32
        %dma_wait3A_864 = arith.constant 3 : i32
        %dma_wait3A_865 = arith.constant 0 : i32
        %dma_wait3A_866 = arith.constant 3 : i32
        %dma_wait3A_867 = arith.constant 0 : i32
        %dma_wait3A_868 = arith.constant 0 : i32
        %dma_wait3A_869 = tpu.memref_slice %arg6[%dma_wait3A_865, %dma_wait3A_866, %dma_wait3A_867, %dma_wait3A_868] : memref<2x16x200x16xf32, #tpu.memory_space<vmem>> -> memref<1x1x200x16xf32, #tpu.memory_space<vmem>>
        %dma_wait3A_870 = tpu.memref_squeeze %dma_wait3A_869 : memref<1x1x200x16xf32, #tpu.memory_space<vmem>> -> memref<200x16xf32, #tpu.memory_space<vmem>>
        %dma_wait3A_871 = arith.constant 0 : i32
        %dma_wait3A_872 = tpu.memref_slice %arg5[%dma_wait3A_863, %dma_wait3A_864, %dma_wait3A_871] : memref<2x16x200xi32, #tpu.memory_space<vmem>> -> memref<1x1x200xi32, #tpu.memory_space<vmem>>
        %dma_wait3A_873 = tpu.memref_squeeze %dma_wait3A_872 : memref<1x1x200xi32, #tpu.memory_space<vmem>> -> memref<200xi32, #tpu.memory_space<vmem>>
        %dma_wait3A_874 = arith.constant 0 : i32
        %dma_wait3A_875 = arith.constant 0 : i32
        %dma_wait3A_876 = tpu.memref_slice %arg7[%dma_wait3A_874, %dma_wait3A_875] : memref<1024x16xf32, #tpu.memory_space<vmem_shared>> -> memref<1024x16xf32, #tpu.memory_space<vmem_shared>>
        tpu.wait_indirect_dma semaphore(%arg10 : memref<!tpu.dma_semaphore, #tpu.memory_space<semaphore_mem>>) src(%dma_wait3A_876 : memref<1024x16xf32, #tpu.memory_space<vmem_shared>>) dst(%dma_wait3A_870 : memref<200x16xf32, #tpu.memory_space<vmem>>)
        %dma_wait3A_877 = arith.constant 0 : i32
        %dma_wait3A_878 = arith.constant 4 : i32
        %dma_wait3A_879 = arith.constant 0 : i32
        %dma_wait3A_880 = arith.constant 4 : i32
        %dma_wait3A_881 = arith.constant 0 : i32
        %dma_wait3A_882 = arith.constant 0 : i32
        %dma_wait3A_883 = tpu.memref_slice %arg6[%dma_wait3A_879, %dma_wait3A_880, %dma_wait3A_881, %dma_wait3A_882] : memref<2x16x200x16xf32, #tpu.memory_space<vmem>> -> memref<1x1x200x16xf32, #tpu.memory_space<vmem>>
        %dma_wait3A_884 = tpu.memref_squeeze %dma_wait3A_883 : memref<1x1x200x16xf32, #tpu.memory_space<vmem>> -> memref<200x16xf32, #tpu.memory_space<vmem>>
        %dma_wait3A_885 = arith.constant 0 : i32
        %dma_wait3A_886 = tpu.memref_slice %arg5[%dma_wait3A_877, %dma_wait3A_878, %dma_wait3A_885] : memref<2x16x200xi32, #tpu.memory_space<vmem>> -> memref<1x1x200xi32, #tpu.memory_space<vmem>>
        %dma_wait3A_887 = tpu.memref_squeeze %dma_wait3A_886 : memref<1x1x200xi32, #tpu.memory_space<vmem>> -> memref<200xi32, #tpu.memory_space<vmem>>
        %dma_wait3A_888 = arith.constant 0 : i32
        %dma_wait3A_889 = arith.constant 0 : i32
        %dma_wait3A_890 = tpu.memref_slice %arg7[%dma_wait3A_888, %dma_wait3A_889] : memref<1024x16xf32, #tpu.memory_space<vmem_shared>> -> memref<1024x16xf32, #tpu.memory_space<vmem_shared>>
        tpu.wait_indirect_dma semaphore(%arg10 : memref<!tpu.dma_semaphore, #tpu.memory_space<semaphore_mem>>) src(%dma_wait3A_890 : memref<1024x16xf32, #tpu.memory_space<vmem_shared>>) dst(%dma_wait3A_884 : memref<200x16xf32, #tpu.memory_space<vmem>>)
        %dma_wait3A_891 = arith.constant 0 : i32
        %dma_wait3A_892 = arith.constant 5 : i32
        %dma_wait3A_893 = arith.constant 0 : i32
        %dma_wait3A_894 = arith.constant 5 : i32
        %dma_wait3A_895 = arith.constant 0 : i32
        %dma_wait3A_896 = arith.constant 0 : i32
        %dma_wait3A_897 = tpu.memref_slice %arg6[%dma_wait3A_893, %dma_wait3A_894, %dma_wait3A_895, %dma_wait3A_896] : memref<2x16x200x16xf32, #tpu.memory_space<vmem>> -> memref<1x1x200x16xf32, #tpu.memory_space<vmem>>
        %dma_wait3A_898 = tpu.memref_squeeze %dma_wait3A_897 : memref<1x1x200x16xf32, #tpu.memory_space<vmem>> -> memref<200x16xf32, #tpu.memory_space<vmem>>
        %dma_wait3A_899 = arith.constant 0 : i32
        %dma_wait3A_900 = tpu.memref_slice %arg5[%dma_wait3A_891, %dma_wait3A_892, %dma_wait3A_899] : memref<2x16x200xi32, #tpu.memory_space<vmem>> -> memref<1x1x200xi32, #tpu.memory_space<vmem>>
        %dma_wait3A_901 = tpu.memref_squeeze %dma_wait3A_900 : memref<1x1x200xi32, #tpu.memory_space<vmem>> -> memref<200xi32, #tpu.memory_space<vmem>>
        %dma_wait3A_902 = arith.constant 0 : i32
        %dma_wait3A_903 = arith.constant 0 : i32
        %dma_wait3A_904 = tpu.memref_slice %arg7[%dma_wait3A_902, %dma_wait3A_903] : memref<1024x16xf32, #tpu.memory_space<vmem_shared>> -> memref<1024x16xf32, #tpu.memory_space<vmem_shared>>
        tpu.wait_indirect_dma semaphore(%arg10 : memref<!tpu.dma_semaphore, #tpu.memory_space<semaphore_mem>>) src(%dma_wait3A_904 : memref<1024x16xf32, #tpu.memory_space<vmem_shared>>) dst(%dma_wait3A_898 : memref<200x16xf32, #tpu.memory_space<vmem>>)
        %dma_wait3A_905 = arith.constant 0 : i32
        %dma_wait3A_906 = arith.constant 6 : i32
        %dma_wait3A_907 = arith.constant 0 : i32
        %dma_wait3A_908 = arith.constant 6 : i32
        %dma_wait3A_909 = arith.constant 0 : i32
        %dma_wait3A_910 = arith.constant 0 : i32
        %dma_wait3A_911 = tpu.memref_slice %arg6[%dma_wait3A_907, %dma_wait3A_908, %dma_wait3A_909, %dma_wait3A_910] : memref<2x16x200x16xf32, #tpu.memory_space<vmem>> -> memref<1x1x200x16xf32, #tpu.memory_space<vmem>>
        %dma_wait3A_912 = tpu.memref_squeeze %dma_wait3A_911 : memref<1x1x200x16xf32, #tpu.memory_space<vmem>> -> memref<200x16xf32, #tpu.memory_space<vmem>>
        %dma_wait3A_913 = arith.constant 0 : i32
        %dma_wait3A_914 = tpu.memref_slice %arg5[%dma_wait3A_905, %dma_wait3A_906, %dma_wait3A_913] : memref<2x16x200xi32, #tpu.memory_space<vmem>> -> memref<1x1x200xi32, #tpu.memory_space<vmem>>
        %dma_wait3A_915 = tpu.memref_squeeze %dma_wait3A_914 : memref<1x1x200xi32, #tpu.memory_space<vmem>> -> memref<200xi32, #tpu.memory_space<vmem>>
        %dma_wait3A_916 = arith.constant 0 : i32
        %dma_wait3A_917 = arith.constant 0 : i32
        %dma_wait3A_918 = tpu.memref_slice %arg7[%dma_wait3A_916, %dma_wait3A_917] : memref<1024x16xf32, #tpu.memory_space<vmem_shared>> -> memref<1024x16xf32, #tpu.memory_space<vmem_shared>>
        tpu.wait_indirect_dma semaphore(%arg10 : memref<!tpu.dma_semaphore, #tpu.memory_space<semaphore_mem>>) src(%dma_wait3A_918 : memref<1024x16xf32, #tpu.memory_space<vmem_shared>>) dst(%dma_wait3A_912 : memref<200x16xf32, #tpu.memory_space<vmem>>)
        %dma_wait3A_919 = arith.constant 0 : i32
        %dma_wait3A_920 = arith.constant 7 : i32
        %dma_wait3A_921 = arith.constant 0 : i32
        %dma_wait3A_922 = arith.constant 7 : i32
        %dma_wait3A_923 = arith.constant 0 : i32
        %dma_wait3A_924 = arith.constant 0 : i32
        %dma_wait3A_925 = tpu.memref_slice %arg6[%dma_wait3A_921, %dma_wait3A_922, %dma_wait3A_923, %dma_wait3A_924] : memref<2x16x200x16xf32, #tpu.memory_space<vmem>> -> memref<1x1x200x16xf32, #tpu.memory_space<vmem>>
        %dma_wait3A_926 = tpu.memref_squeeze %dma_wait3A_925 : memref<1x1x200x16xf32, #tpu.memory_space<vmem>> -> memref<200x16xf32, #tpu.memory_space<vmem>>
        %dma_wait3A_927 = arith.constant 0 : i32
        %dma_wait3A_928 = tpu.memref_slice %arg5[%dma_wait3A_919, %dma_wait3A_920, %dma_wait3A_927] : memref<2x16x200xi32, #tpu.memory_space<vmem>> -> memref<1x1x200xi32, #tpu.memory_space<vmem>>
        %dma_wait3A_929 = tpu.memref_squeeze %dma_wait3A_928 : memref<1x1x200xi32, #tpu.memory_space<vmem>> -> memref<200xi32, #tpu.memory_space<vmem>>
        %dma_wait3A_930 = arith.constant 0 : i32
        %dma_wait3A_931 = arith.constant 0 : i32
        %dma_wait3A_932 = tpu.memref_slice %arg7[%dma_wait3A_930, %dma_wait3A_931] : memref<1024x16xf32, #tpu.memory_space<vmem_shared>> -> memref<1024x16xf32, #tpu.memory_space<vmem_shared>>
        tpu.wait_indirect_dma semaphore(%arg10 : memref<!tpu.dma_semaphore, #tpu.memory_space<semaphore_mem>>) src(%dma_wait3A_932 : memref<1024x16xf32, #tpu.memory_space<vmem_shared>>) dst(%dma_wait3A_926 : memref<200x16xf32, #tpu.memory_space<vmem>>)
        %dma_wait3A_933 = arith.constant 0 : i32
        %dma_wait3A_934 = arith.constant 8 : i32
        %dma_wait3A_935 = arith.constant 0 : i32
        %dma_wait3A_936 = arith.constant 8 : i32
        %dma_wait3A_937 = arith.constant 0 : i32
        %dma_wait3A_938 = arith.constant 0 : i32
        %dma_wait3A_939 = tpu.memref_slice %arg6[%dma_wait3A_935, %dma_wait3A_936, %dma_wait3A_937, %dma_wait3A_938] : memref<2x16x200x16xf32, #tpu.memory_space<vmem>> -> memref<1x1x200x16xf32, #tpu.memory_space<vmem>>
        %dma_wait3A_940 = tpu.memref_squeeze %dma_wait3A_939 : memref<1x1x200x16xf32, #tpu.memory_space<vmem>> -> memref<200x16xf32, #tpu.memory_space<vmem>>
        %dma_wait3A_941 = arith.constant 0 : i32
        %dma_wait3A_942 = tpu.memref_slice %arg5[%dma_wait3A_933, %dma_wait3A_934, %dma_wait3A_941] : memref<2x16x200xi32, #tpu.memory_space<vmem>> -> memref<1x1x200xi32, #tpu.memory_space<vmem>>
        %dma_wait3A_943 = tpu.memref_squeeze %dma_wait3A_942 : memref<1x1x200xi32, #tpu.memory_space<vmem>> -> memref<200xi32, #tpu.memory_space<vmem>>
        %dma_wait3A_944 = arith.constant 0 : i32
        %dma_wait3A_945 = arith.constant 0 : i32
        %dma_wait3A_946 = tpu.memref_slice %arg7[%dma_wait3A_944, %dma_wait3A_945] : memref<1024x16xf32, #tpu.memory_space<vmem_shared>> -> memref<1024x16xf32, #tpu.memory_space<vmem_shared>>
        tpu.wait_indirect_dma semaphore(%arg10 : memref<!tpu.dma_semaphore, #tpu.memory_space<semaphore_mem>>) src(%dma_wait3A_946 : memref<1024x16xf32, #tpu.memory_space<vmem_shared>>) dst(%dma_wait3A_940 : memref<200x16xf32, #tpu.memory_space<vmem>>)
        %dma_wait3A_947 = arith.constant 0 : i32
        %dma_wait3A_948 = arith.constant 9 : i32
        %dma_wait3A_949 = arith.constant 0 : i32
        %dma_wait3A_950 = arith.constant 9 : i32
        %dma_wait3A_951 = arith.constant 0 : i32
        %dma_wait3A_952 = arith.constant 0 : i32
        %dma_wait3A_953 = tpu.memref_slice %arg6[%dma_wait3A_949, %dma_wait3A_950, %dma_wait3A_951, %dma_wait3A_952] : memref<2x16x200x16xf32, #tpu.memory_space<vmem>> -> memref<1x1x200x16xf32, #tpu.memory_space<vmem>>
        %dma_wait3A_954 = tpu.memref_squeeze %dma_wait3A_953 : memref<1x1x200x16xf32, #tpu.memory_space<vmem>> -> memref<200x16xf32, #tpu.memory_space<vmem>>
        %dma_wait3A_955 = arith.constant 0 : i32
        %dma_wait3A_956 = tpu.memref_slice %arg5[%dma_wait3A_947, %dma_wait3A_948, %dma_wait3A_955] : memref<2x16x200xi32, #tpu.memory_space<vmem>> -> memref<1x1x200xi32, #tpu.memory_space<vmem>>
        %dma_wait3A_957 = tpu.memref_squeeze %dma_wait3A_956 : memref<1x1x200xi32, #tpu.memory_space<vmem>> -> memref<200xi32, #tpu.memory_space<vmem>>
        %dma_wait3A_958 = arith.constant 0 : i32
        %dma_wait3A_959 = arith.constant 0 : i32
        %dma_wait3A_960 = tpu.memref_slice %arg7[%dma_wait3A_958, %dma_wait3A_959] : memref<1024x16xf32, #tpu.memory_space<vmem_shared>> -> memref<1024x16xf32, #tpu.memory_space<vmem_shared>>
        tpu.wait_indirect_dma semaphore(%arg10 : memref<!tpu.dma_semaphore, #tpu.memory_space<semaphore_mem>>) src(%dma_wait3A_960 : memref<1024x16xf32, #tpu.memory_space<vmem_shared>>) dst(%dma_wait3A_954 : memref<200x16xf32, #tpu.memory_space<vmem>>)
        %dma_wait3A_961 = arith.constant 0 : i32
        %dma_wait3A_962 = arith.constant 10 : i32
        %dma_wait3A_963 = arith.constant 0 : i32
        %dma_wait3A_964 = arith.constant 10 : i32
        %dma_wait3A_965 = arith.constant 0 : i32
        %dma_wait3A_966 = arith.constant 0 : i32
        %dma_wait3A_967 = tpu.memref_slice %arg6[%dma_wait3A_963, %dma_wait3A_964, %dma_wait3A_965, %dma_wait3A_966] : memref<2x16x200x16xf32, #tpu.memory_space<vmem>> -> memref<1x1x200x16xf32, #tpu.memory_space<vmem>>
        %dma_wait3A_968 = tpu.memref_squeeze %dma_wait3A_967 : memref<1x1x200x16xf32, #tpu.memory_space<vmem>> -> memref<200x16xf32, #tpu.memory_space<vmem>>
        %dma_wait3A_969 = arith.constant 0 : i32
        %dma_wait3A_970 = tpu.memref_slice %arg5[%dma_wait3A_961, %dma_wait3A_962, %dma_wait3A_969] : memref<2x16x200xi32, #tpu.memory_space<vmem>> -> memref<1x1x200xi32, #tpu.memory_space<vmem>>
        %dma_wait3A_971 = tpu.memref_squeeze %dma_wait3A_970 : memref<1x1x200xi32, #tpu.memory_space<vmem>> -> memref<200xi32, #tpu.memory_space<vmem>>
        %dma_wait3A_972 = arith.constant 0 : i32
        %dma_wait3A_973 = arith.constant 0 : i32
        %dma_wait3A_974 = tpu.memref_slice %arg7[%dma_wait3A_972, %dma_wait3A_973] : memref<1024x16xf32, #tpu.memory_space<vmem_shared>> -> memref<1024x16xf32, #tpu.memory_space<vmem_shared>>
        tpu.wait_indirect_dma semaphore(%arg10 : memref<!tpu.dma_semaphore, #tpu.memory_space<semaphore_mem>>) src(%dma_wait3A_974 : memref<1024x16xf32, #tpu.memory_space<vmem_shared>>) dst(%dma_wait3A_968 : memref<200x16xf32, #tpu.memory_space<vmem>>)
        %dma_wait3A_975 = arith.constant 0 : i32
        %dma_wait3A_976 = arith.constant 11 : i32
        %dma_wait3A_977 = arith.constant 0 : i32
        %dma_wait3A_978 = arith.constant 11 : i32
        %dma_wait3A_979 = arith.constant 0 : i32
        %dma_wait3A_980 = arith.constant 0 : i32
        %dma_wait3A_981 = tpu.memref_slice %arg6[%dma_wait3A_977, %dma_wait3A_978, %dma_wait3A_979, %dma_wait3A_980] : memref<2x16x200x16xf32, #tpu.memory_space<vmem>> -> memref<1x1x200x16xf32, #tpu.memory_space<vmem>>
        %dma_wait3A_982 = tpu.memref_squeeze %dma_wait3A_981 : memref<1x1x200x16xf32, #tpu.memory_space<vmem>> -> memref<200x16xf32, #tpu.memory_space<vmem>>
        %dma_wait3A_983 = arith.constant 0 : i32
        %dma_wait3A_984 = tpu.memref_slice %arg5[%dma_wait3A_975, %dma_wait3A_976, %dma_wait3A_983] : memref<2x16x200xi32, #tpu.memory_space<vmem>> -> memref<1x1x200xi32, #tpu.memory_space<vmem>>
        %dma_wait3A_985 = tpu.memref_squeeze %dma_wait3A_984 : memref<1x1x200xi32, #tpu.memory_space<vmem>> -> memref<200xi32, #tpu.memory_space<vmem>>
        %dma_wait3A_986 = arith.constant 0 : i32
        %dma_wait3A_987 = arith.constant 0 : i32
        %dma_wait3A_988 = tpu.memref_slice %arg7[%dma_wait3A_986, %dma_wait3A_987] : memref<1024x16xf32, #tpu.memory_space<vmem_shared>> -> memref<1024x16xf32, #tpu.memory_space<vmem_shared>>
        tpu.wait_indirect_dma semaphore(%arg10 : memref<!tpu.dma_semaphore, #tpu.memory_space<semaphore_mem>>) src(%dma_wait3A_988 : memref<1024x16xf32, #tpu.memory_space<vmem_shared>>) dst(%dma_wait3A_982 : memref<200x16xf32, #tpu.memory_space<vmem>>)
        %dma_wait3A_989 = arith.constant 0 : i32
        %dma_wait3A_990 = arith.constant 12 : i32
        %dma_wait3A_991 = arith.constant 0 : i32
        %dma_wait3A_992 = arith.constant 12 : i32
        %dma_wait3A_993 = arith.constant 0 : i32
        %dma_wait3A_994 = arith.constant 0 : i32
        %dma_wait3A_995 = tpu.memref_slice %arg6[%dma_wait3A_991, %dma_wait3A_992, %dma_wait3A_993, %dma_wait3A_994] : memref<2x16x200x16xf32, #tpu.memory_space<vmem>> -> memref<1x1x200x16xf32, #tpu.memory_space<vmem>>
        %dma_wait3A_996 = tpu.memref_squeeze %dma_wait3A_995 : memref<1x1x200x16xf32, #tpu.memory_space<vmem>> -> memref<200x16xf32, #tpu.memory_space<vmem>>
        %dma_wait3A_997 = arith.constant 0 : i32
        %dma_wait3A_998 = tpu.memref_slice %arg5[%dma_wait3A_989, %dma_wait3A_990, %dma_wait3A_997] : memref<2x16x200xi32, #tpu.memory_space<vmem>> -> memref<1x1x200xi32, #tpu.memory_space<vmem>>
        %dma_wait3A_999 = tpu.memref_squeeze %dma_wait3A_998 : memref<1x1x200xi32, #tpu.memory_space<vmem>> -> memref<200xi32, #tpu.memory_space<vmem>>
        %dma_wait3A_1000 = arith.constant 0 : i32
        %dma_wait3A_1001 = arith.constant 0 : i32
        %dma_wait3A_1002 = tpu.memref_slice %arg7[%dma_wait3A_1000, %dma_wait3A_1001] : memref<1024x16xf32, #tpu.memory_space<vmem_shared>> -> memref<1024x16xf32, #tpu.memory_space<vmem_shared>>
        tpu.wait_indirect_dma semaphore(%arg10 : memref<!tpu.dma_semaphore, #tpu.memory_space<semaphore_mem>>) src(%dma_wait3A_1002 : memref<1024x16xf32, #tpu.memory_space<vmem_shared>>) dst(%dma_wait3A_996 : memref<200x16xf32, #tpu.memory_space<vmem>>)
        %dma_wait3A_1003 = arith.constant 0 : i32
        %dma_wait3A_1004 = arith.constant 13 : i32
        %dma_wait3A_1005 = arith.constant 0 : i32
        %dma_wait3A_1006 = arith.constant 13 : i32
        %dma_wait3A_1007 = arith.constant 0 : i32
        %dma_wait3A_1008 = arith.constant 0 : i32
        %dma_wait3A_1009 = tpu.memref_slice %arg6[%dma_wait3A_1005, %dma_wait3A_1006, %dma_wait3A_1007, %dma_wait3A_1008] : memref<2x16x200x16xf32, #tpu.memory_space<vmem>> -> memref<1x1x200x16xf32, #tpu.memory_space<vmem>>
        %dma_wait3A_1010 = tpu.memref_squeeze %dma_wait3A_1009 : memref<1x1x200x16xf32, #tpu.memory_space<vmem>> -> memref<200x16xf32, #tpu.memory_space<vmem>>
        %dma_wait3A_1011 = arith.constant 0 : i32
        %dma_wait3A_1012 = tpu.memref_slice %arg5[%dma_wait3A_1003, %dma_wait3A_1004, %dma_wait3A_1011] : memref<2x16x200xi32, #tpu.memory_space<vmem>> -> memref<1x1x200xi32, #tpu.memory_space<vmem>>
        %dma_wait3A_1013 = tpu.memref_squeeze %dma_wait3A_1012 : memref<1x1x200xi32, #tpu.memory_space<vmem>> -> memref<200xi32, #tpu.memory_space<vmem>>
        %dma_wait3A_1014 = arith.constant 0 : i32
        %dma_wait3A_1015 = arith.constant 0 : i32
        %dma_wait3A_1016 = tpu.memref_slice %arg7[%dma_wait3A_1014, %dma_wait3A_1015] : memref<1024x16xf32, #tpu.memory_space<vmem_shared>> -> memref<1024x16xf32, #tpu.memory_space<vmem_shared>>
        tpu.wait_indirect_dma semaphore(%arg10 : memref<!tpu.dma_semaphore, #tpu.memory_space<semaphore_mem>>) src(%dma_wait3A_1016 : memref<1024x16xf32, #tpu.memory_space<vmem_shared>>) dst(%dma_wait3A_1010 : memref<200x16xf32, #tpu.memory_space<vmem>>)
        %dma_wait3A_1017 = arith.constant 0 : i32
        %dma_wait3A_1018 = arith.constant 14 : i32
        %dma_wait3A_1019 = arith.constant 0 : i32
        %dma_wait3A_1020 = arith.constant 14 : i32
        %dma_wait3A_1021 = arith.constant 0 : i32
        %dma_wait3A_1022 = arith.constant 0 : i32
        %dma_wait3A_1023 = tpu.memref_slice %arg6[%dma_wait3A_1019, %dma_wait3A_1020, %dma_wait3A_1021, %dma_wait3A_1022] : memref<2x16x200x16xf32, #tpu.memory_space<vmem>> -> memref<1x1x200x16xf32, #tpu.memory_space<vmem>>
        %dma_wait3A_1024 = tpu.memref_squeeze %dma_wait3A_1023 : memref<1x1x200x16xf32, #tpu.memory_space<vmem>> -> memref<200x16xf32, #tpu.memory_space<vmem>>
        %dma_wait3A_1025 = arith.constant 0 : i32
        %dma_wait3A_1026 = tpu.memref_slice %arg5[%dma_wait3A_1017, %dma_wait3A_1018, %dma_wait3A_1025] : memref<2x16x200xi32, #tpu.memory_space<vmem>> -> memref<1x1x200xi32, #tpu.memory_space<vmem>>
        %dma_wait3A_1027 = tpu.memref_squeeze %dma_wait3A_1026 : memref<1x1x200xi32, #tpu.memory_space<vmem>> -> memref<200xi32, #tpu.memory_space<vmem>>
        %dma_wait3A_1028 = arith.constant 0 : i32
        %dma_wait3A_1029 = arith.constant 0 : i32
        %dma_wait3A_1030 = tpu.memref_slice %arg7[%dma_wait3A_1028, %dma_wait3A_1029] : memref<1024x16xf32, #tpu.memory_space<vmem_shared>> -> memref<1024x16xf32, #tpu.memory_space<vmem_shared>>
        tpu.wait_indirect_dma semaphore(%arg10 : memref<!tpu.dma_semaphore, #tpu.memory_space<semaphore_mem>>) src(%dma_wait3A_1030 : memref<1024x16xf32, #tpu.memory_space<vmem_shared>>) dst(%dma_wait3A_1024 : memref<200x16xf32, #tpu.memory_space<vmem>>)
        %dma_wait3A_1031 = arith.constant 0 : i32
        %dma_wait3A_1032 = arith.constant 15 : i32
        %dma_wait3A_1033 = arith.constant 0 : i32
        %dma_wait3A_1034 = arith.constant 15 : i32
        %dma_wait3A_1035 = arith.constant 0 : i32
        %dma_wait3A_1036 = arith.constant 0 : i32
        %dma_wait3A_1037 = tpu.memref_slice %arg6[%dma_wait3A_1033, %dma_wait3A_1034, %dma_wait3A_1035, %dma_wait3A_1036] : memref<2x16x200x16xf32, #tpu.memory_space<vmem>> -> memref<1x1x200x16xf32, #tpu.memory_space<vmem>>
        %dma_wait3A_1038 = tpu.memref_squeeze %dma_wait3A_1037 : memref<1x1x200x16xf32, #tpu.memory_space<vmem>> -> memref<200x16xf32, #tpu.memory_space<vmem>>
        %dma_wait3A_1039 = arith.constant 0 : i32
        %dma_wait3A_1040 = tpu.memref_slice %arg5[%dma_wait3A_1031, %dma_wait3A_1032, %dma_wait3A_1039] : memref<2x16x200xi32, #tpu.memory_space<vmem>> -> memref<1x1x200xi32, #tpu.memory_space<vmem>>
        %dma_wait3A_1041 = tpu.memref_squeeze %dma_wait3A_1040 : memref<1x1x200xi32, #tpu.memory_space<vmem>> -> memref<200xi32, #tpu.memory_space<vmem>>
        %dma_wait3A_1042 = arith.constant 0 : i32
        %dma_wait3A_1043 = arith.constant 0 : i32
        %dma_wait3A_1044 = tpu.memref_slice %arg7[%dma_wait3A_1042, %dma_wait3A_1043] : memref<1024x16xf32, #tpu.memory_space<vmem_shared>> -> memref<1024x16xf32, #tpu.memory_space<vmem_shared>>
        tpu.wait_indirect_dma semaphore(%arg10 : memref<!tpu.dma_semaphore, #tpu.memory_space<semaphore_mem>>) src(%dma_wait3A_1044 : memref<1024x16xf32, #tpu.memory_space<vmem_shared>>) dst(%dma_wait3A_1038 : memref<200x16xf32, #tpu.memory_space<vmem>>)
        %sub3A = arith.constant 1 : i32
        %sub3A_1045 = arith.subi %add3A_563, %sub3A : i32
        %mul3A_1046 = arith.constant 16 : i32
        %mul3A_1047 = arith.muli %sub3A_1045, %mul3A_1046 : i32
        %add3A_1048 = arith.addi %mul3A_2, %mul3A_1047 : i32
        %dma_start3A_1049 = arith.constant 0 : i32
        %dma_start3A_1050 = arith.constant 0 : i32
        %dma_start3A_1051 = arith.constant 0 : i32
        %dma_start3A_1052 = arith.constant 0 : i32
        %dma_start3A_1053 = tpu.memref_slice %arg6[%dma_start3A_1049, %dma_start3A_1050, %dma_start3A_1051, %dma_start3A_1052] : memref<2x16x200x16xf32, #tpu.memory_space<vmem>> -> memref<1x16x200x16xf32, #tpu.memory_space<vmem>>
        %dma_start3A_1054 = tpu.memref_squeeze %dma_start3A_1053 : memref<1x16x200x16xf32, #tpu.memory_space<vmem>> -> memref<16x200x16xf32, #tpu.memory_space<vmem>>
        %dma_start3A_1055 = arith.constant 0 : i32
        %dma_start3A_1056 = arith.constant 0 : i32
        %dma_start3A_1057 = tpu.memref_slice %arg4[%add3A_1048, %dma_start3A_1055, %dma_start3A_1056] : memref<16384x200x16xf32, #tpu.memory_space<hbm>> -> memref<16x200x16xf32, #tpu.memory_space<hbm>>
        %dma_start3A_1058 = arith.constant 0 : i32
        %dma_start3A_1059 = arith.constant 0 : i32
        %dma_start3A_1060 = tpu.memref_slice %arg4[%add3A_1048, %dma_start3A_1058, %dma_start3A_1059] : memref<16384x200x16xf32, #tpu.memory_space<hbm>> -> memref<16x200x16xf32, #tpu.memory_space<hbm>>
        %dma_start3A_1061 = arith.constant 0 : i32
        %dma_start3A_1062 = arith.constant 0 : i32
        %dma_start3A_1063 = arith.constant 0 : i32
        %dma_start3A_1064 = tpu.memref_slice %arg6[%dma_start3A_1049, %dma_start3A_1061, %dma_start3A_1062, %dma_start3A_1063] : memref<2x16x200x16xf32, #tpu.memory_space<vmem>> -> memref<1x16x200x16xf32, #tpu.memory_space<vmem>>
        %dma_start3A_1065 = tpu.memref_squeeze %dma_start3A_1064 : memref<1x16x200x16xf32, #tpu.memory_space<vmem>> -> memref<16x200x16xf32, #tpu.memory_space<vmem>>
        tpu.enqueue_dma source(%dma_start3A_1065 : memref<16x200x16xf32, #tpu.memory_space<vmem>>) target(%dma_start3A_1060 : memref<16x200x16xf32, #tpu.memory_space<hbm>>) target_semaphore(%arg12 : memref<!tpu.dma_semaphore, #tpu.memory_space<semaphore_mem>>)
      } else {
      }
      %add3A_814 = arith.constant 1 : i32
      %add3A_815 = arith.addi %add3A_563, %add3A_814 : i32
      %lt3A_816 = arith.constant 32 : i32
      %lt3A_817 = arith.cmpi slt, %add3A_815, %lt3A_816 : i32
      %convert_element_type3A_818 = arith.extui %lt3A_817 : i1 to i32
      %cond3A_819 = arith.constant 0 : i32
      %cond3A_820 = arith.cmpi ne, %convert_element_type3A_818, %cond3A_819 : i32
      scf.if %cond3A_820 {
        %add3A_821 = arith.constant 1 : i32
        %add3A_822 = arith.addi %add3A_563, %add3A_821 : i32
        %mul3A_823 = arith.constant 16 : i32
        %mul3A_824 = arith.muli %add3A_822, %mul3A_823 : i32
        %add3A_825 = arith.addi %mul3A_2, %mul3A_824 : i32
        %dma_start3A_826 = arith.constant 0 : i32
        %dma_start3A_827 = arith.constant 0 : i32
        %dma_start3A_828 = arith.constant 0 : i32
        %dma_start3A_829 = tpu.memref_slice %arg5[%dma_start3A_826, %dma_start3A_827, %dma_start3A_828] : memref<2x16x200xi32, #tpu.memory_space<vmem>> -> memref<1x16x200xi32, #tpu.memory_space<vmem>>
        %dma_start3A_830 = tpu.memref_squeeze %dma_start3A_829 : memref<1x16x200xi32, #tpu.memory_space<vmem>> -> memref<16x200xi32, #tpu.memory_space<vmem>>
        %dma_start3A_831 = arith.constant 0 : i32
        %dma_start3A_832 = tpu.memref_slice %arg2[%add3A_825, %dma_start3A_831] : memref<16384x200xi32, #tpu.memory_space<hbm>> -> memref<16x200xi32, #tpu.memory_space<hbm>>
        %dma_start3A_833 = arith.constant 0 : i32
        %dma_start3A_834 = arith.constant 0 : i32
        %dma_start3A_835 = tpu.memref_slice %arg5[%dma_start3A_826, %dma_start3A_833, %dma_start3A_834] : memref<2x16x200xi32, #tpu.memory_space<vmem>> -> memref<1x16x200xi32, #tpu.memory_space<vmem>>
        %dma_start3A_836 = tpu.memref_squeeze %dma_start3A_835 : memref<1x16x200xi32, #tpu.memory_space<vmem>> -> memref<16x200xi32, #tpu.memory_space<vmem>>
        %dma_start3A_837 = arith.constant 0 : i32
        %dma_start3A_838 = tpu.memref_slice %arg2[%add3A_825, %dma_start3A_837] : memref<16384x200xi32, #tpu.memory_space<hbm>> -> memref<16x200xi32, #tpu.memory_space<hbm>>
        tpu.enqueue_dma source(%dma_start3A_838 : memref<16x200xi32, #tpu.memory_space<hbm>>) target(%dma_start3A_836 : memref<16x200xi32, #tpu.memory_space<vmem>>) target_semaphore(%arg8 : memref<!tpu.dma_semaphore, #tpu.memory_space<semaphore_mem>>)
      } else {
      }
    }
    %scan3A_21 = arith.constant 16 : i32
    %dma_wait3A = arith.constant 1 : i32
    %dma_wait3A_22 = arith.constant 0 : i32
    %dma_wait3A_23 = arith.constant 1 : i32
    %dma_wait3A_24 = arith.constant 0 : i32
    %dma_wait3A_25 = arith.constant 0 : i32
    %dma_wait3A_26 = arith.constant 0 : i32
    %dma_wait3A_27 = tpu.memref_slice %arg6[%dma_wait3A_23, %dma_wait3A_24, %dma_wait3A_25, %dma_wait3A_26] : memref<2x16x200x16xf32, #tpu.memory_space<vmem>> -> memref<1x1x200x16xf32, #tpu.memory_space<vmem>>
    %dma_wait3A_28 = tpu.memref_squeeze %dma_wait3A_27 : memref<1x1x200x16xf32, #tpu.memory_space<vmem>> -> memref<200x16xf32, #tpu.memory_space<vmem>>
    %dma_wait3A_29 = arith.constant 0 : i32
    %dma_wait3A_30 = tpu.memref_slice %arg5[%dma_wait3A, %dma_wait3A_22, %dma_wait3A_29] : memref<2x16x200xi32, #tpu.memory_space<vmem>> -> memref<1x1x200xi32, #tpu.memory_space<vmem>>
    %dma_wait3A_31 = tpu.memref_squeeze %dma_wait3A_30 : memref<1x1x200xi32, #tpu.memory_space<vmem>> -> memref<200xi32, #tpu.memory_space<vmem>>
    %dma_wait3A_32 = arith.constant 0 : i32
    %dma_wait3A_33 = arith.constant 0 : i32
    %dma_wait3A_34 = tpu.memref_slice %arg7[%dma_wait3A_32, %dma_wait3A_33] : memref<1024x16xf32, #tpu.memory_space<vmem_shared>> -> memref<1024x16xf32, #tpu.memory_space<vmem_shared>>
    tpu.wait_indirect_dma semaphore(%arg11 : memref<!tpu.dma_semaphore, #tpu.memory_space<semaphore_mem>>) src(%dma_wait3A_34 : memref<1024x16xf32, #tpu.memory_space<vmem_shared>>) dst(%dma_wait3A_28 : memref<200x16xf32, #tpu.memory_space<vmem>>)
    %dma_wait3A_35 = arith.constant 1 : i32
    %dma_wait3A_36 = arith.constant 1 : i32
    %dma_wait3A_37 = arith.constant 1 : i32
    %dma_wait3A_38 = arith.constant 1 : i32
    %dma_wait3A_39 = arith.constant 0 : i32
    %dma_wait3A_40 = arith.constant 0 : i32
    %dma_wait3A_41 = tpu.memref_slice %arg6[%dma_wait3A_37, %dma_wait3A_38, %dma_wait3A_39, %dma_wait3A_40] : memref<2x16x200x16xf32, #tpu.memory_space<vmem>> -> memref<1x1x200x16xf32, #tpu.memory_space<vmem>>
    %dma_wait3A_42 = tpu.memref_squeeze %dma_wait3A_41 : memref<1x1x200x16xf32, #tpu.memory_space<vmem>> -> memref<200x16xf32, #tpu.memory_space<vmem>>
    %dma_wait3A_43 = arith.constant 0 : i32
    %dma_wait3A_44 = tpu.memref_slice %arg5[%dma_wait3A_35, %dma_wait3A_36, %dma_wait3A_43] : memref<2x16x200xi32, #tpu.memory_space<vmem>> -> memref<1x1x200xi32, #tpu.memory_space<vmem>>
    %dma_wait3A_45 = tpu.memref_squeeze %dma_wait3A_44 : memref<1x1x200xi32, #tpu.memory_space<vmem>> -> memref<200xi32, #tpu.memory_space<vmem>>
    %dma_wait3A_46 = arith.constant 0 : i32
    %dma_wait3A_47 = arith.constant 0 : i32
    %dma_wait3A_48 = tpu.memref_slice %arg7[%dma_wait3A_46, %dma_wait3A_47] : memref<1024x16xf32, #tpu.memory_space<vmem_shared>> -> memref<1024x16xf32, #tpu.memory_space<vmem_shared>>
    tpu.wait_indirect_dma semaphore(%arg11 : memref<!tpu.dma_semaphore, #tpu.memory_space<semaphore_mem>>) src(%dma_wait3A_48 : memref<1024x16xf32, #tpu.memory_space<vmem_shared>>) dst(%dma_wait3A_42 : memref<200x16xf32, #tpu.memory_space<vmem>>)
    %dma_wait3A_49 = arith.constant 1 : i32
    %dma_wait3A_50 = arith.constant 2 : i32
    %dma_wait3A_51 = arith.constant 1 : i32
    %dma_wait3A_52 = arith.constant 2 : i32
    %dma_wait3A_53 = arith.constant 0 : i32
    %dma_wait3A_54 = arith.constant 0 : i32
    %dma_wait3A_55 = tpu.memref_slice %arg6[%dma_wait3A_51, %dma_wait3A_52, %dma_wait3A_53, %dma_wait3A_54] : memref<2x16x200x16xf32, #tpu.memory_space<vmem>> -> memref<1x1x200x16xf32, #tpu.memory_space<vmem>>
    %dma_wait3A_56 = tpu.memref_squeeze %dma_wait3A_55 : memref<1x1x200x16xf32, #tpu.memory_space<vmem>> -> memref<200x16xf32, #tpu.memory_space<vmem>>
    %dma_wait3A_57 = arith.constant 0 : i32
    %dma_wait3A_58 = tpu.memref_slice %arg5[%dma_wait3A_49, %dma_wait3A_50, %dma_wait3A_57] : memref<2x16x200xi32, #tpu.memory_space<vmem>> -> memref<1x1x200xi32, #tpu.memory_space<vmem>>
    %dma_wait3A_59 = tpu.memref_squeeze %dma_wait3A_58 : memref<1x1x200xi32, #tpu.memory_space<vmem>> -> memref<200xi32, #tpu.memory_space<vmem>>
    %dma_wait3A_60 = arith.constant 0 : i32
    %dma_wait3A_61 = arith.constant 0 : i32
    %dma_wait3A_62 = tpu.memref_slice %arg7[%dma_wait3A_60, %dma_wait3A_61] : memref<1024x16xf32, #tpu.memory_space<vmem_shared>> -> memref<1024x16xf32, #tpu.memory_space<vmem_shared>>
    tpu.wait_indirect_dma semaphore(%arg11 : memref<!tpu.dma_semaphore, #tpu.memory_space<semaphore_mem>>) src(%dma_wait3A_62 : memref<1024x16xf32, #tpu.memory_space<vmem_shared>>) dst(%dma_wait3A_56 : memref<200x16xf32, #tpu.memory_space<vmem>>)
    %dma_wait3A_63 = arith.constant 1 : i32
    %dma_wait3A_64 = arith.constant 3 : i32
    %dma_wait3A_65 = arith.constant 1 : i32
    %dma_wait3A_66 = arith.constant 3 : i32
    %dma_wait3A_67 = arith.constant 0 : i32
    %dma_wait3A_68 = arith.constant 0 : i32
    %dma_wait3A_69 = tpu.memref_slice %arg6[%dma_wait3A_65, %dma_wait3A_66, %dma_wait3A_67, %dma_wait3A_68] : memref<2x16x200x16xf32, #tpu.memory_space<vmem>> -> memref<1x1x200x16xf32, #tpu.memory_space<vmem>>
    %dma_wait3A_70 = tpu.memref_squeeze %dma_wait3A_69 : memref<1x1x200x16xf32, #tpu.memory_space<vmem>> -> memref<200x16xf32, #tpu.memory_space<vmem>>
    %dma_wait3A_71 = arith.constant 0 : i32
    %dma_wait3A_72 = tpu.memref_slice %arg5[%dma_wait3A_63, %dma_wait3A_64, %dma_wait3A_71] : memref<2x16x200xi32, #tpu.memory_space<vmem>> -> memref<1x1x200xi32, #tpu.memory_space<vmem>>
    %dma_wait3A_73 = tpu.memref_squeeze %dma_wait3A_72 : memref<1x1x200xi32, #tpu.memory_space<vmem>> -> memref<200xi32, #tpu.memory_space<vmem>>
    %dma_wait3A_74 = arith.constant 0 : i32
    %dma_wait3A_75 = arith.constant 0 : i32
    %dma_wait3A_76 = tpu.memref_slice %arg7[%dma_wait3A_74, %dma_wait3A_75] : memref<1024x16xf32, #tpu.memory_space<vmem_shared>> -> memref<1024x16xf32, #tpu.memory_space<vmem_shared>>
    tpu.wait_indirect_dma semaphore(%arg11 : memref<!tpu.dma_semaphore, #tpu.memory_space<semaphore_mem>>) src(%dma_wait3A_76 : memref<1024x16xf32, #tpu.memory_space<vmem_shared>>) dst(%dma_wait3A_70 : memref<200x16xf32, #tpu.memory_space<vmem>>)
    %dma_wait3A_77 = arith.constant 1 : i32
    %dma_wait3A_78 = arith.constant 4 : i32
    %dma_wait3A_79 = arith.constant 1 : i32
    %dma_wait3A_80 = arith.constant 4 : i32
    %dma_wait3A_81 = arith.constant 0 : i32
    %dma_wait3A_82 = arith.constant 0 : i32
    %dma_wait3A_83 = tpu.memref_slice %arg6[%dma_wait3A_79, %dma_wait3A_80, %dma_wait3A_81, %dma_wait3A_82] : memref<2x16x200x16xf32, #tpu.memory_space<vmem>> -> memref<1x1x200x16xf32, #tpu.memory_space<vmem>>
    %dma_wait3A_84 = tpu.memref_squeeze %dma_wait3A_83 : memref<1x1x200x16xf32, #tpu.memory_space<vmem>> -> memref<200x16xf32, #tpu.memory_space<vmem>>
    %dma_wait3A_85 = arith.constant 0 : i32
    %dma_wait3A_86 = tpu.memref_slice %arg5[%dma_wait3A_77, %dma_wait3A_78, %dma_wait3A_85] : memref<2x16x200xi32, #tpu.memory_space<vmem>> -> memref<1x1x200xi32, #tpu.memory_space<vmem>>
    %dma_wait3A_87 = tpu.memref_squeeze %dma_wait3A_86 : memref<1x1x200xi32, #tpu.memory_space<vmem>> -> memref<200xi32, #tpu.memory_space<vmem>>
    %dma_wait3A_88 = arith.constant 0 : i32
    %dma_wait3A_89 = arith.constant 0 : i32
    %dma_wait3A_90 = tpu.memref_slice %arg7[%dma_wait3A_88, %dma_wait3A_89] : memref<1024x16xf32, #tpu.memory_space<vmem_shared>> -> memref<1024x16xf32, #tpu.memory_space<vmem_shared>>
    tpu.wait_indirect_dma semaphore(%arg11 : memref<!tpu.dma_semaphore, #tpu.memory_space<semaphore_mem>>) src(%dma_wait3A_90 : memref<1024x16xf32, #tpu.memory_space<vmem_shared>>) dst(%dma_wait3A_84 : memref<200x16xf32, #tpu.memory_space<vmem>>)
    %dma_wait3A_91 = arith.constant 1 : i32
    %dma_wait3A_92 = arith.constant 5 : i32
    %dma_wait3A_93 = arith.constant 1 : i32
    %dma_wait3A_94 = arith.constant 5 : i32
    %dma_wait3A_95 = arith.constant 0 : i32
    %dma_wait3A_96 = arith.constant 0 : i32
    %dma_wait3A_97 = tpu.memref_slice %arg6[%dma_wait3A_93, %dma_wait3A_94, %dma_wait3A_95, %dma_wait3A_96] : memref<2x16x200x16xf32, #tpu.memory_space<vmem>> -> memref<1x1x200x16xf32, #tpu.memory_space<vmem>>
    %dma_wait3A_98 = tpu.memref_squeeze %dma_wait3A_97 : memref<1x1x200x16xf32, #tpu.memory_space<vmem>> -> memref<200x16xf32, #tpu.memory_space<vmem>>
    %dma_wait3A_99 = arith.constant 0 : i32
    %dma_wait3A_100 = tpu.memref_slice %arg5[%dma_wait3A_91, %dma_wait3A_92, %dma_wait3A_99] : memref<2x16x200xi32, #tpu.memory_space<vmem>> -> memref<1x1x200xi32, #tpu.memory_space<vmem>>
    %dma_wait3A_101 = tpu.memref_squeeze %dma_wait3A_100 : memref<1x1x200xi32, #tpu.memory_space<vmem>> -> memref<200xi32, #tpu.memory_space<vmem>>
    %dma_wait3A_102 = arith.constant 0 : i32
    %dma_wait3A_103 = arith.constant 0 : i32
    %dma_wait3A_104 = tpu.memref_slice %arg7[%dma_wait3A_102, %dma_wait3A_103] : memref<1024x16xf32, #tpu.memory_space<vmem_shared>> -> memref<1024x16xf32, #tpu.memory_space<vmem_shared>>
    tpu.wait_indirect_dma semaphore(%arg11 : memref<!tpu.dma_semaphore, #tpu.memory_space<semaphore_mem>>) src(%dma_wait3A_104 : memref<1024x16xf32, #tpu.memory_space<vmem_shared>>) dst(%dma_wait3A_98 : memref<200x16xf32, #tpu.memory_space<vmem>>)
    %dma_wait3A_105 = arith.constant 1 : i32
    %dma_wait3A_106 = arith.constant 6 : i32
    %dma_wait3A_107 = arith.constant 1 : i32
    %dma_wait3A_108 = arith.constant 6 : i32
    %dma_wait3A_109 = arith.constant 0 : i32
    %dma_wait3A_110 = arith.constant 0 : i32
    %dma_wait3A_111 = tpu.memref_slice %arg6[%dma_wait3A_107, %dma_wait3A_108, %dma_wait3A_109, %dma_wait3A_110] : memref<2x16x200x16xf32, #tpu.memory_space<vmem>> -> memref<1x1x200x16xf32, #tpu.memory_space<vmem>>
    %dma_wait3A_112 = tpu.memref_squeeze %dma_wait3A_111 : memref<1x1x200x16xf32, #tpu.memory_space<vmem>> -> memref<200x16xf32, #tpu.memory_space<vmem>>
    %dma_wait3A_113 = arith.constant 0 : i32
    %dma_wait3A_114 = tpu.memref_slice %arg5[%dma_wait3A_105, %dma_wait3A_106, %dma_wait3A_113] : memref<2x16x200xi32, #tpu.memory_space<vmem>> -> memref<1x1x200xi32, #tpu.memory_space<vmem>>
    %dma_wait3A_115 = tpu.memref_squeeze %dma_wait3A_114 : memref<1x1x200xi32, #tpu.memory_space<vmem>> -> memref<200xi32, #tpu.memory_space<vmem>>
    %dma_wait3A_116 = arith.constant 0 : i32
    %dma_wait3A_117 = arith.constant 0 : i32
    %dma_wait3A_118 = tpu.memref_slice %arg7[%dma_wait3A_116, %dma_wait3A_117] : memref<1024x16xf32, #tpu.memory_space<vmem_shared>> -> memref<1024x16xf32, #tpu.memory_space<vmem_shared>>
    tpu.wait_indirect_dma semaphore(%arg11 : memref<!tpu.dma_semaphore, #tpu.memory_space<semaphore_mem>>) src(%dma_wait3A_118 : memref<1024x16xf32, #tpu.memory_space<vmem_shared>>) dst(%dma_wait3A_112 : memref<200x16xf32, #tpu.memory_space<vmem>>)
    %dma_wait3A_119 = arith.constant 1 : i32
    %dma_wait3A_120 = arith.constant 7 : i32
    %dma_wait3A_121 = arith.constant 1 : i32
    %dma_wait3A_122 = arith.constant 7 : i32
    %dma_wait3A_123 = arith.constant 0 : i32
    %dma_wait3A_124 = arith.constant 0 : i32
    %dma_wait3A_125 = tpu.memref_slice %arg6[%dma_wait3A_121, %dma_wait3A_122, %dma_wait3A_123, %dma_wait3A_124] : memref<2x16x200x16xf32, #tpu.memory_space<vmem>> -> memref<1x1x200x16xf32, #tpu.memory_space<vmem>>
    %dma_wait3A_126 = tpu.memref_squeeze %dma_wait3A_125 : memref<1x1x200x16xf32, #tpu.memory_space<vmem>> -> memref<200x16xf32, #tpu.memory_space<vmem>>
    %dma_wait3A_127 = arith.constant 0 : i32
    %dma_wait3A_128 = tpu.memref_slice %arg5[%dma_wait3A_119, %dma_wait3A_120, %dma_wait3A_127] : memref<2x16x200xi32, #tpu.memory_space<vmem>> -> memref<1x1x200xi32, #tpu.memory_space<vmem>>
    %dma_wait3A_129 = tpu.memref_squeeze %dma_wait3A_128 : memref<1x1x200xi32, #tpu.memory_space<vmem>> -> memref<200xi32, #tpu.memory_space<vmem>>
    %dma_wait3A_130 = arith.constant 0 : i32
    %dma_wait3A_131 = arith.constant 0 : i32
    %dma_wait3A_132 = tpu.memref_slice %arg7[%dma_wait3A_130, %dma_wait3A_131] : memref<1024x16xf32, #tpu.memory_space<vmem_shared>> -> memref<1024x16xf32, #tpu.memory_space<vmem_shared>>
    tpu.wait_indirect_dma semaphore(%arg11 : memref<!tpu.dma_semaphore, #tpu.memory_space<semaphore_mem>>) src(%dma_wait3A_132 : memref<1024x16xf32, #tpu.memory_space<vmem_shared>>) dst(%dma_wait3A_126 : memref<200x16xf32, #tpu.memory_space<vmem>>)
    %dma_wait3A_133 = arith.constant 1 : i32
    %dma_wait3A_134 = arith.constant 8 : i32
    %dma_wait3A_135 = arith.constant 1 : i32
    %dma_wait3A_136 = arith.constant 8 : i32
    %dma_wait3A_137 = arith.constant 0 : i32
    %dma_wait3A_138 = arith.constant 0 : i32
    %dma_wait3A_139 = tpu.memref_slice %arg6[%dma_wait3A_135, %dma_wait3A_136, %dma_wait3A_137, %dma_wait3A_138] : memref<2x16x200x16xf32, #tpu.memory_space<vmem>> -> memref<1x1x200x16xf32, #tpu.memory_space<vmem>>
    %dma_wait3A_140 = tpu.memref_squeeze %dma_wait3A_139 : memref<1x1x200x16xf32, #tpu.memory_space<vmem>> -> memref<200x16xf32, #tpu.memory_space<vmem>>
    %dma_wait3A_141 = arith.constant 0 : i32
    %dma_wait3A_142 = tpu.memref_slice %arg5[%dma_wait3A_133, %dma_wait3A_134, %dma_wait3A_141] : memref<2x16x200xi32, #tpu.memory_space<vmem>> -> memref<1x1x200xi32, #tpu.memory_space<vmem>>
    %dma_wait3A_143 = tpu.memref_squeeze %dma_wait3A_142 : memref<1x1x200xi32, #tpu.memory_space<vmem>> -> memref<200xi32, #tpu.memory_space<vmem>>
    %dma_wait3A_144 = arith.constant 0 : i32
    %dma_wait3A_145 = arith.constant 0 : i32
    %dma_wait3A_146 = tpu.memref_slice %arg7[%dma_wait3A_144, %dma_wait3A_145] : memref<1024x16xf32, #tpu.memory_space<vmem_shared>> -> memref<1024x16xf32, #tpu.memory_space<vmem_shared>>
    tpu.wait_indirect_dma semaphore(%arg11 : memref<!tpu.dma_semaphore, #tpu.memory_space<semaphore_mem>>) src(%dma_wait3A_146 : memref<1024x16xf32, #tpu.memory_space<vmem_shared>>) dst(%dma_wait3A_140 : memref<200x16xf32, #tpu.memory_space<vmem>>)
    %dma_wait3A_147 = arith.constant 1 : i32
    %dma_wait3A_148 = arith.constant 9 : i32
    %dma_wait3A_149 = arith.constant 1 : i32
    %dma_wait3A_150 = arith.constant 9 : i32
    %dma_wait3A_151 = arith.constant 0 : i32
    %dma_wait3A_152 = arith.constant 0 : i32
    %dma_wait3A_153 = tpu.memref_slice %arg6[%dma_wait3A_149, %dma_wait3A_150, %dma_wait3A_151, %dma_wait3A_152] : memref<2x16x200x16xf32, #tpu.memory_space<vmem>> -> memref<1x1x200x16xf32, #tpu.memory_space<vmem>>
    %dma_wait3A_154 = tpu.memref_squeeze %dma_wait3A_153 : memref<1x1x200x16xf32, #tpu.memory_space<vmem>> -> memref<200x16xf32, #tpu.memory_space<vmem>>
    %dma_wait3A_155 = arith.constant 0 : i32
    %dma_wait3A_156 = tpu.memref_slice %arg5[%dma_wait3A_147, %dma_wait3A_148, %dma_wait3A_155] : memref<2x16x200xi32, #tpu.memory_space<vmem>> -> memref<1x1x200xi32, #tpu.memory_space<vmem>>
    %dma_wait3A_157 = tpu.memref_squeeze %dma_wait3A_156 : memref<1x1x200xi32, #tpu.memory_space<vmem>> -> memref<200xi32, #tpu.memory_space<vmem>>
    %dma_wait3A_158 = arith.constant 0 : i32
    %dma_wait3A_159 = arith.constant 0 : i32
    %dma_wait3A_160 = tpu.memref_slice %arg7[%dma_wait3A_158, %dma_wait3A_159] : memref<1024x16xf32, #tpu.memory_space<vmem_shared>> -> memref<1024x16xf32, #tpu.memory_space<vmem_shared>>
    tpu.wait_indirect_dma semaphore(%arg11 : memref<!tpu.dma_semaphore, #tpu.memory_space<semaphore_mem>>) src(%dma_wait3A_160 : memref<1024x16xf32, #tpu.memory_space<vmem_shared>>) dst(%dma_wait3A_154 : memref<200x16xf32, #tpu.memory_space<vmem>>)
    %dma_wait3A_161 = arith.constant 1 : i32
    %dma_wait3A_162 = arith.constant 10 : i32
    %dma_wait3A_163 = arith.constant 1 : i32
    %dma_wait3A_164 = arith.constant 10 : i32
    %dma_wait3A_165 = arith.constant 0 : i32
    %dma_wait3A_166 = arith.constant 0 : i32
    %dma_wait3A_167 = tpu.memref_slice %arg6[%dma_wait3A_163, %dma_wait3A_164, %dma_wait3A_165, %dma_wait3A_166] : memref<2x16x200x16xf32, #tpu.memory_space<vmem>> -> memref<1x1x200x16xf32, #tpu.memory_space<vmem>>
    %dma_wait3A_168 = tpu.memref_squeeze %dma_wait3A_167 : memref<1x1x200x16xf32, #tpu.memory_space<vmem>> -> memref<200x16xf32, #tpu.memory_space<vmem>>
    %dma_wait3A_169 = arith.constant 0 : i32
    %dma_wait3A_170 = tpu.memref_slice %arg5[%dma_wait3A_161, %dma_wait3A_162, %dma_wait3A_169] : memref<2x16x200xi32, #tpu.memory_space<vmem>> -> memref<1x1x200xi32, #tpu.memory_space<vmem>>
    %dma_wait3A_171 = tpu.memref_squeeze %dma_wait3A_170 : memref<1x1x200xi32, #tpu.memory_space<vmem>> -> memref<200xi32, #tpu.memory_space<vmem>>
    %dma_wait3A_172 = arith.constant 0 : i32
    %dma_wait3A_173 = arith.constant 0 : i32
    %dma_wait3A_174 = tpu.memref_slice %arg7[%dma_wait3A_172, %dma_wait3A_173] : memref<1024x16xf32, #tpu.memory_space<vmem_shared>> -> memref<1024x16xf32, #tpu.memory_space<vmem_shared>>
    tpu.wait_indirect_dma semaphore(%arg11 : memref<!tpu.dma_semaphore, #tpu.memory_space<semaphore_mem>>) src(%dma_wait3A_174 : memref<1024x16xf32, #tpu.memory_space<vmem_shared>>) dst(%dma_wait3A_168 : memref<200x16xf32, #tpu.memory_space<vmem>>)
    %dma_wait3A_175 = arith.constant 1 : i32
    %dma_wait3A_176 = arith.constant 11 : i32
    %dma_wait3A_177 = arith.constant 1 : i32
    %dma_wait3A_178 = arith.constant 11 : i32
    %dma_wait3A_179 = arith.constant 0 : i32
    %dma_wait3A_180 = arith.constant 0 : i32
    %dma_wait3A_181 = tpu.memref_slice %arg6[%dma_wait3A_177, %dma_wait3A_178, %dma_wait3A_179, %dma_wait3A_180] : memref<2x16x200x16xf32, #tpu.memory_space<vmem>> -> memref<1x1x200x16xf32, #tpu.memory_space<vmem>>
    %dma_wait3A_182 = tpu.memref_squeeze %dma_wait3A_181 : memref<1x1x200x16xf32, #tpu.memory_space<vmem>> -> memref<200x16xf32, #tpu.memory_space<vmem>>
    %dma_wait3A_183 = arith.constant 0 : i32
    %dma_wait3A_184 = tpu.memref_slice %arg5[%dma_wait3A_175, %dma_wait3A_176, %dma_wait3A_183] : memref<2x16x200xi32, #tpu.memory_space<vmem>> -> memref<1x1x200xi32, #tpu.memory_space<vmem>>
    %dma_wait3A_185 = tpu.memref_squeeze %dma_wait3A_184 : memref<1x1x200xi32, #tpu.memory_space<vmem>> -> memref<200xi32, #tpu.memory_space<vmem>>
    %dma_wait3A_186 = arith.constant 0 : i32
    %dma_wait3A_187 = arith.constant 0 : i32
    %dma_wait3A_188 = tpu.memref_slice %arg7[%dma_wait3A_186, %dma_wait3A_187] : memref<1024x16xf32, #tpu.memory_space<vmem_shared>> -> memref<1024x16xf32, #tpu.memory_space<vmem_shared>>
    tpu.wait_indirect_dma semaphore(%arg11 : memref<!tpu.dma_semaphore, #tpu.memory_space<semaphore_mem>>) src(%dma_wait3A_188 : memref<1024x16xf32, #tpu.memory_space<vmem_shared>>) dst(%dma_wait3A_182 : memref<200x16xf32, #tpu.memory_space<vmem>>)
    %dma_wait3A_189 = arith.constant 1 : i32
    %dma_wait3A_190 = arith.constant 12 : i32
    %dma_wait3A_191 = arith.constant 1 : i32
    %dma_wait3A_192 = arith.constant 12 : i32
    %dma_wait3A_193 = arith.constant 0 : i32
    %dma_wait3A_194 = arith.constant 0 : i32
    %dma_wait3A_195 = tpu.memref_slice %arg6[%dma_wait3A_191, %dma_wait3A_192, %dma_wait3A_193, %dma_wait3A_194] : memref<2x16x200x16xf32, #tpu.memory_space<vmem>> -> memref<1x1x200x16xf32, #tpu.memory_space<vmem>>
    %dma_wait3A_196 = tpu.memref_squeeze %dma_wait3A_195 : memref<1x1x200x16xf32, #tpu.memory_space<vmem>> -> memref<200x16xf32, #tpu.memory_space<vmem>>
    %dma_wait3A_197 = arith.constant 0 : i32
    %dma_wait3A_198 = tpu.memref_slice %arg5[%dma_wait3A_189, %dma_wait3A_190, %dma_wait3A_197] : memref<2x16x200xi32, #tpu.memory_space<vmem>> -> memref<1x1x200xi32, #tpu.memory_space<vmem>>
    %dma_wait3A_199 = tpu.memref_squeeze %dma_wait3A_198 : memref<1x1x200xi32, #tpu.memory_space<vmem>> -> memref<200xi32, #tpu.memory_space<vmem>>
    %dma_wait3A_200 = arith.constant 0 : i32
    %dma_wait3A_201 = arith.constant 0 : i32
    %dma_wait3A_202 = tpu.memref_slice %arg7[%dma_wait3A_200, %dma_wait3A_201] : memref<1024x16xf32, #tpu.memory_space<vmem_shared>> -> memref<1024x16xf32, #tpu.memory_space<vmem_shared>>
    tpu.wait_indirect_dma semaphore(%arg11 : memref<!tpu.dma_semaphore, #tpu.memory_space<semaphore_mem>>) src(%dma_wait3A_202 : memref<1024x16xf32, #tpu.memory_space<vmem_shared>>) dst(%dma_wait3A_196 : memref<200x16xf32, #tpu.memory_space<vmem>>)
    %dma_wait3A_203 = arith.constant 1 : i32
    %dma_wait3A_204 = arith.constant 13 : i32
    %dma_wait3A_205 = arith.constant 1 : i32
    %dma_wait3A_206 = arith.constant 13 : i32
    %dma_wait3A_207 = arith.constant 0 : i32
    %dma_wait3A_208 = arith.constant 0 : i32
    %dma_wait3A_209 = tpu.memref_slice %arg6[%dma_wait3A_205, %dma_wait3A_206, %dma_wait3A_207, %dma_wait3A_208] : memref<2x16x200x16xf32, #tpu.memory_space<vmem>> -> memref<1x1x200x16xf32, #tpu.memory_space<vmem>>
    %dma_wait3A_210 = tpu.memref_squeeze %dma_wait3A_209 : memref<1x1x200x16xf32, #tpu.memory_space<vmem>> -> memref<200x16xf32, #tpu.memory_space<vmem>>
    %dma_wait3A_211 = arith.constant 0 : i32
    %dma_wait3A_212 = tpu.memref_slice %arg5[%dma_wait3A_203, %dma_wait3A_204, %dma_wait3A_211] : memref<2x16x200xi32, #tpu.memory_space<vmem>> -> memref<1x1x200xi32, #tpu.memory_space<vmem>>
    %dma_wait3A_213 = tpu.memref_squeeze %dma_wait3A_212 : memref<1x1x200xi32, #tpu.memory_space<vmem>> -> memref<200xi32, #tpu.memory_space<vmem>>
    %dma_wait3A_214 = arith.constant 0 : i32
    %dma_wait3A_215 = arith.constant 0 : i32
    %dma_wait3A_216 = tpu.memref_slice %arg7[%dma_wait3A_214, %dma_wait3A_215] : memref<1024x16xf32, #tpu.memory_space<vmem_shared>> -> memref<1024x16xf32, #tpu.memory_space<vmem_shared>>
    tpu.wait_indirect_dma semaphore(%arg11 : memref<!tpu.dma_semaphore, #tpu.memory_space<semaphore_mem>>) src(%dma_wait3A_216 : memref<1024x16xf32, #tpu.memory_space<vmem_shared>>) dst(%dma_wait3A_210 : memref<200x16xf32, #tpu.memory_space<vmem>>)
    %dma_wait3A_217 = arith.constant 1 : i32
    %dma_wait3A_218 = arith.constant 14 : i32
    %dma_wait3A_219 = arith.constant 1 : i32
    %dma_wait3A_220 = arith.constant 14 : i32
    %dma_wait3A_221 = arith.constant 0 : i32
    %dma_wait3A_222 = arith.constant 0 : i32
    %dma_wait3A_223 = tpu.memref_slice %arg6[%dma_wait3A_219, %dma_wait3A_220, %dma_wait3A_221, %dma_wait3A_222] : memref<2x16x200x16xf32, #tpu.memory_space<vmem>> -> memref<1x1x200x16xf32, #tpu.memory_space<vmem>>
    %dma_wait3A_224 = tpu.memref_squeeze %dma_wait3A_223 : memref<1x1x200x16xf32, #tpu.memory_space<vmem>> -> memref<200x16xf32, #tpu.memory_space<vmem>>
    %dma_wait3A_225 = arith.constant 0 : i32
    %dma_wait3A_226 = tpu.memref_slice %arg5[%dma_wait3A_217, %dma_wait3A_218, %dma_wait3A_225] : memref<2x16x200xi32, #tpu.memory_space<vmem>> -> memref<1x1x200xi32, #tpu.memory_space<vmem>>
    %dma_wait3A_227 = tpu.memref_squeeze %dma_wait3A_226 : memref<1x1x200xi32, #tpu.memory_space<vmem>> -> memref<200xi32, #tpu.memory_space<vmem>>
    %dma_wait3A_228 = arith.constant 0 : i32
    %dma_wait3A_229 = arith.constant 0 : i32
    %dma_wait3A_230 = tpu.memref_slice %arg7[%dma_wait3A_228, %dma_wait3A_229] : memref<1024x16xf32, #tpu.memory_space<vmem_shared>> -> memref<1024x16xf32, #tpu.memory_space<vmem_shared>>
    tpu.wait_indirect_dma semaphore(%arg11 : memref<!tpu.dma_semaphore, #tpu.memory_space<semaphore_mem>>) src(%dma_wait3A_230 : memref<1024x16xf32, #tpu.memory_space<vmem_shared>>) dst(%dma_wait3A_224 : memref<200x16xf32, #tpu.memory_space<vmem>>)
    %dma_wait3A_231 = arith.constant 1 : i32
    %dma_wait3A_232 = arith.constant 15 : i32
    %dma_wait3A_233 = arith.constant 1 : i32
    %dma_wait3A_234 = arith.constant 15 : i32
    %dma_wait3A_235 = arith.constant 0 : i32
    %dma_wait3A_236 = arith.constant 0 : i32
    %dma_wait3A_237 = tpu.memref_slice %arg6[%dma_wait3A_233, %dma_wait3A_234, %dma_wait3A_235, %dma_wait3A_236] : memref<2x16x200x16xf32, #tpu.memory_space<vmem>> -> memref<1x1x200x16xf32, #tpu.memory_space<vmem>>
    %dma_wait3A_238 = tpu.memref_squeeze %dma_wait3A_237 : memref<1x1x200x16xf32, #tpu.memory_space<vmem>> -> memref<200x16xf32, #tpu.memory_space<vmem>>
    %dma_wait3A_239 = arith.constant 0 : i32
    %dma_wait3A_240 = tpu.memref_slice %arg5[%dma_wait3A_231, %dma_wait3A_232, %dma_wait3A_239] : memref<2x16x200xi32, #tpu.memory_space<vmem>> -> memref<1x1x200xi32, #tpu.memory_space<vmem>>
    %dma_wait3A_241 = tpu.memref_squeeze %dma_wait3A_240 : memref<1x1x200xi32, #tpu.memory_space<vmem>> -> memref<200xi32, #tpu.memory_space<vmem>>
    %dma_wait3A_242 = arith.constant 0 : i32
    %dma_wait3A_243 = arith.constant 0 : i32
    %dma_wait3A_244 = tpu.memref_slice %arg7[%dma_wait3A_242, %dma_wait3A_243] : memref<1024x16xf32, #tpu.memory_space<vmem_shared>> -> memref<1024x16xf32, #tpu.memory_space<vmem_shared>>
    tpu.wait_indirect_dma semaphore(%arg11 : memref<!tpu.dma_semaphore, #tpu.memory_space<semaphore_mem>>) src(%dma_wait3A_244 : memref<1024x16xf32, #tpu.memory_space<vmem_shared>>) dst(%dma_wait3A_238 : memref<200x16xf32, #tpu.memory_space<vmem>>)
    %add3A_245 = arith.constant 480 : i32
    %add3A_246 = arith.addi %mul3A_2, %add3A_245 : i32
    %dma_wait3A_247 = arith.constant 0 : i32
    %dma_wait3A_248 = arith.constant 0 : i32
    %dma_wait3A_249 = arith.constant 0 : i32
    %dma_wait3A_250 = arith.constant 0 : i32
    %dma_wait3A_251 = tpu.memref_slice %arg6[%dma_wait3A_247, %dma_wait3A_248, %dma_wait3A_249, %dma_wait3A_250] : memref<2x16x200x16xf32, #tpu.memory_space<vmem>> -> memref<1x16x200x16xf32, #tpu.memory_space<vmem>>
    %dma_wait3A_252 = tpu.memref_squeeze %dma_wait3A_251 : memref<1x16x200x16xf32, #tpu.memory_space<vmem>> -> memref<16x200x16xf32, #tpu.memory_space<vmem>>
    %dma_wait3A_253 = arith.constant 0 : i32
    %dma_wait3A_254 = arith.constant 0 : i32
    %dma_wait3A_255 = tpu.memref_slice %arg4[%add3A_246, %dma_wait3A_253, %dma_wait3A_254] : memref<16384x200x16xf32, #tpu.memory_space<hbm>> -> memref<16x200x16xf32, #tpu.memory_space<hbm>>
    %dma_wait3A_256 = arith.constant 0 : i32
    %dma_wait3A_257 = arith.constant 0 : i32
    %dma_wait3A_258 = tpu.memref_slice %arg4[%add3A_246, %dma_wait3A_256, %dma_wait3A_257] : memref<16384x200x16xf32, #tpu.memory_space<hbm>> -> memref<16x200x16xf32, #tpu.memory_space<hbm>>
    %dma_wait3A_259 = arith.constant 0 : i32
    %dma_wait3A_260 = arith.constant 0 : i32
    %dma_wait3A_261 = arith.constant 0 : i32
    %dma_wait3A_262 = tpu.memref_slice %arg6[%dma_wait3A_247, %dma_wait3A_259, %dma_wait3A_260, %dma_wait3A_261] : memref<2x16x200x16xf32, #tpu.memory_space<vmem>> -> memref<1x16x200x16xf32, #tpu.memory_space<vmem>>
    %dma_wait3A_263 = tpu.memref_squeeze %dma_wait3A_262 : memref<1x16x200x16xf32, #tpu.memory_space<vmem>> -> memref<16x200x16xf32, #tpu.memory_space<vmem>>
    tpu.wait_dma2 semaphore(%arg12 : memref<!tpu.dma_semaphore, #tpu.memory_space<semaphore_mem>>) src(%dma_wait3A_263 : memref<16x200x16xf32, #tpu.memory_space<vmem>>) dst(%dma_wait3A_258 : memref<16x200x16xf32, #tpu.memory_space<hbm>>)
    %add3A_264 = arith.constant 496 : i32
    %add3A_265 = arith.addi %mul3A_2, %add3A_264 : i32
    %dma_start3A_266 = arith.constant 1 : i32
    %dma_start3A_267 = arith.constant 0 : i32
    %dma_start3A_268 = arith.constant 0 : i32
    %dma_start3A_269 = arith.constant 0 : i32
    %dma_start3A_270 = tpu.memref_slice %arg6[%dma_start3A_266, %dma_start3A_267, %dma_start3A_268, %dma_start3A_269] : memref<2x16x200x16xf32, #tpu.memory_space<vmem>> -> memref<1x16x200x16xf32, #tpu.memory_space<vmem>>
    %dma_start3A_271 = tpu.memref_squeeze %dma_start3A_270 : memref<1x16x200x16xf32, #tpu.memory_space<vmem>> -> memref<16x200x16xf32, #tpu.memory_space<vmem>>
    %dma_start3A_272 = arith.constant 0 : i32
    %dma_start3A_273 = arith.constant 0 : i32
    %dma_start3A_274 = tpu.memref_slice %arg4[%add3A_265, %dma_start3A_272, %dma_start3A_273] : memref<16384x200x16xf32, #tpu.memory_space<hbm>> -> memref<16x200x16xf32, #tpu.memory_space<hbm>>
    %dma_start3A_275 = arith.constant 0 : i32
    %dma_start3A_276 = arith.constant 0 : i32
    %dma_start3A_277 = tpu.memref_slice %arg4[%add3A_265, %dma_start3A_275, %dma_start3A_276] : memref<16384x200x16xf32, #tpu.memory_space<hbm>> -> memref<16x200x16xf32, #tpu.memory_space<hbm>>
    %dma_start3A_278 = arith.constant 0 : i32
    %dma_start3A_279 = arith.constant 0 : i32
    %dma_start3A_280 = arith.constant 0 : i32
    %dma_start3A_281 = tpu.memref_slice %arg6[%dma_start3A_266, %dma_start3A_278, %dma_start3A_279, %dma_start3A_280] : memref<2x16x200x16xf32, #tpu.memory_space<vmem>> -> memref<1x16x200x16xf32, #tpu.memory_space<vmem>>
    %dma_start3A_282 = tpu.memref_squeeze %dma_start3A_281 : memref<1x16x200x16xf32, #tpu.memory_space<vmem>> -> memref<16x200x16xf32, #tpu.memory_space<vmem>>
    tpu.enqueue_dma source(%dma_start3A_282 : memref<16x200x16xf32, #tpu.memory_space<vmem>>) target(%dma_start3A_277 : memref<16x200x16xf32, #tpu.memory_space<hbm>>) target_semaphore(%arg13 : memref<!tpu.dma_semaphore, #tpu.memory_space<semaphore_mem>>)
    %add3A_283 = arith.constant 496 : i32
    %add3A_284 = arith.addi %mul3A_2, %add3A_283 : i32
    %dma_wait3A_285 = arith.constant 1 : i32
    %dma_wait3A_286 = arith.constant 0 : i32
    %dma_wait3A_287 = arith.constant 0 : i32
    %dma_wait3A_288 = arith.constant 0 : i32
    %dma_wait3A_289 = tpu.memref_slice %arg6[%dma_wait3A_285, %dma_wait3A_286, %dma_wait3A_287, %dma_wait3A_288] : memref<2x16x200x16xf32, #tpu.memory_space<vmem>> -> memref<1x16x200x16xf32, #tpu.memory_space<vmem>>
    %dma_wait3A_290 = tpu.memref_squeeze %dma_wait3A_289 : memref<1x16x200x16xf32, #tpu.memory_space<vmem>> -> memref<16x200x16xf32, #tpu.memory_space<vmem>>
    %dma_wait3A_291 = arith.constant 0 : i32
    %dma_wait3A_292 = arith.constant 0 : i32
    %dma_wait3A_293 = tpu.memref_slice %arg4[%add3A_284, %dma_wait3A_291, %dma_wait3A_292] : memref<16384x200x16xf32, #tpu.memory_space<hbm>> -> memref<16x200x16xf32, #tpu.memory_space<hbm>>
    %dma_wait3A_294 = arith.constant 0 : i32
    %dma_wait3A_295 = arith.constant 0 : i32
    %dma_wait3A_296 = tpu.memref_slice %arg4[%add3A_284, %dma_wait3A_294, %dma_wait3A_295] : memref<16384x200x16xf32, #tpu.memory_space<hbm>> -> memref<16x200x16xf32, #tpu.memory_space<hbm>>
    %dma_wait3A_297 = arith.constant 0 : i32
    %dma_wait3A_298 = arith.constant 0 : i32
    %dma_wait3A_299 = arith.constant 0 : i32
    %dma_wait3A_300 = tpu.memref_slice %arg6[%dma_wait3A_285, %dma_wait3A_297, %dma_wait3A_298, %dma_wait3A_299] : memref<2x16x200x16xf32, #tpu.memory_space<vmem>> -> memref<1x16x200x16xf32, #tpu.memory_space<vmem>>
    %dma_wait3A_301 = tpu.memref_squeeze %dma_wait3A_300 : memref<1x16x200x16xf32, #tpu.memory_space<vmem>> -> memref<16x200x16xf32, #tpu.memory_space<vmem>>
    tpu.wait_dma2 semaphore(%arg13 : memref<!tpu.dma_semaphore, #tpu.memory_space<semaphore_mem>>) src(%dma_wait3A_301 : memref<16x200x16xf32, #tpu.memory_space<vmem>>) dst(%dma_wait3A_296 : memref<16x200x16xf32, #tpu.memory_space<hbm>>)
    return
  }
}

module attributes {stable_mosaic.version = 14 : i64} {
  func.func @body(%arg0: memref<1024x16xf32, #tpu.memory_space<vmem>>, %arg1: memref<16x16xf32, #tpu.memory_space<vmem>>, %arg2: memref<1x16xf32, #tpu.memory_space<vmem>>, %arg3: memref<1024x16xf32, #tpu.memory_space<vmem>>) attributes {dimension_semantics = [], scalar_prefetch = 0 : i64, scratch_operands = 0 : i64, tpu.core_type = #tpu.core_type<tc>} {
    %get3A = arith.constant 0 : index
    %get3A_0 = arith.constant 0 : index
    %get3A_1 = vector.load %arg0[%get3A, %get3A_0] : memref<1024x16xf32, #tpu.memory_space<vmem>>, vector<1024x16xf32>
    %get3A_2 = arith.constant 0 : index
    %get3A_3 = arith.constant 0 : index
    %get3A_4 = vector.load %arg1[%get3A_2, %get3A_3] : memref<16x16xf32, #tpu.memory_space<vmem>>, vector<16x16xf32>
    %dot_general3A = arith.constant dense<0.000000e+00> : vector<1024x16xf32>
    %dot_general3A_5 = tpu.matmul %get3A_1, %get3A_4, %dot_general3A {dimension_numbers = #tpu.dot_dimension_numbers<[1], [1], [0], [0], [0, 0, 1, 0], [], []>, transpose_lhs_hint = false} : vector<1024x16xf32>, vector<16x16xf32>, vector<1024x16xf32> -> vector<1024x16xf32>
    %get3A_6 = arith.constant 0 : index
    %get3A_7 = arith.constant 0 : index
    %get3A_8 = vector.load %arg2[%get3A_6, %get3A_7] : memref<1x16xf32, #tpu.memory_space<vmem>>, vector<1x16xf32>
    %add3A = vector.broadcast %get3A_8 : vector<1x16xf32> to vector<1024x16xf32>
    %add3A_9 = arith.addf %dot_general3A_5, %add3A : vector<1024x16xf32>
    %swap3A = arith.constant 0 : index
    %swap3A_10 = arith.constant 0 : index
    %swap3A_11 = vector.load %arg3[%swap3A, %swap3A_10] : memref<1024x16xf32, #tpu.memory_space<vmem>>, vector<1024x16xf32>
    tpu.vector_store %arg3[%swap3A, %swap3A_10], %add3A_9 {strides = array<i32>} : memref<1024x16xf32, #tpu.memory_space<vmem>>, vector<1024x16xf32>,
    return
  }
}

</mosaic_0001>

<sc_bundles>
// kernel: kernel.4.cloned.1.call-start
scs
__scs_entry_jumppad:
0x0: {  	(pc) =	sbr.rel $0x88, $3  }
0x1: {  	(tag) =	ssettag $0x0;
	lr =	simm.s32 $0x1  }
0x2: {  	[smem:$0x3F9D] =	sst lr;
	_ =	strace $0xD0000000  }
0x3: {  	_ = 	snop  }
0x4: {  	_ = 	snop  }
0x5: {  	_ = 	snop  }
0x6: {  	_ = 	snop  }
0x7: {  	_ = 	snop  }
__scs_overlays_trampoline_lowered:
0x8: {  	[smem:$0x3FAC] =	sst s0  }
0x9: {  	[smem:$0x3FAD] =	sst s1  }
0xa: {  	[smem:$0x3FAE] =	sst s2  }
0xb: {  	[smem:$0x3FAF] =	sst s3  }
0xc: {  	[smem:$0x3FB0] =	sst s4  }
0xd: {  	[smem:$0x3FB1] =	sst s5  }
0xe: {  	[smem:$0x3FB2] =	sst s6  }
0xf: {  	[smem:$0x3FB3] =	sst s7  }
0x10: {  	[smem:$0x3FB4] =	sst s8  }
0x11: {  	[smem:$0x3FB5] =	sst s9;
	s0 =	simm.s32 @!p0 $0x0  }
0x12: {  	s1 =	sld [smem:$0x3F9B];
	s0 =	simm.s32 @p0 $0x1  }
0x13: {  	[smem:$0x3FB6] =	sst s0;
	s0 =	simm.s32 @!p1 $0x0  }
0x14: {  	s2 =	sld [smem:$0x3F9A];
	s0 =	simm.s32 @p1 $0x1  }
0x15: {  	[smem:$0x3FB7] =	sst s0;
	s0 =	simm.s32 @!p2 $0x0  }
0x16: {  	s3 =	sld [smem:$0x3FDB];
	s0 =	simm.s32 @p2 $0x1  }
0x17: {  	s4 =	simm.s32 $0x1BF5;
	[smem:$0x3FB9] =	sst s0  }
0x18: {  	s0 =	sld [smem:$0x3F9C];
	_ =	swait.ge [sflag:s4], $0x0  }
0x19: {  	s7 =	sld [smem:$0x3F9D]  }
0x1a: {  	s8 =	sadd.s32 $0xFFFFE003, lr  }
0x1b: {  	s9 =	sadd.s32 $0xFFFFFEF7, lr;
	s5 =	simm.s32 $0xFFFFFFFF;
	p2 =	slt.u32 s8, $0xFFFFF086  }
0x1c: {  	p1 =	slt.u32 s9, $0xF7A;
	s5 =	simm.s32 @!p2 $0x0  }
0x1d: {  	s5 =	simm.s32 @p1 $0x1;
	p0 =	seq.s32 s7, s2  }
0x1e: {  	s7 =	smul.u32 @!p0 $0xF7A, s2;
	p2 =	seq.s32 @!p0 s5, $0x0  }
0x1f: {  	s9 =	smul.u32 $0xF7A, s1;
	s8 =	simm.s32 @!p0 $0x1BF5;
	p2 =	por !p2, p0  }
0x20: {  	[sflag:s8] =	ssyncset.s32 @!p0 $0xFFFFF086;
	s6 =	sadd.s32 @!p0 s3, s7;
	s7 =	simm.s32 @!p0 $0x108  }
0x21: {  	s3 =	sadd.s32 s3, s9;
	s6 =	sadd.s32 @!p0 $0x88, s6;
	s7 =	simm.s32 @p2 $0x1082  }
0x22: {  	[simem:s7], [sflag:s8] =	dma.local @!p0 [hbm:s6], $0xF7A  }
0x23: {  	s9 =	sor.u32 $0xD0000000, s2;
	s6 =	simm.s32 $0x108;
	_ =	swait.ge @!p0 [sflag:s8], $0x0  }
0x24: {  	s3 =	sadd.s32 $0x88, s3;
	s6 =	simm.s32 @!p1 $0x1082;
	[sflag:s4] =	ssyncset.s32 $0xFFFFF086  }
0x25: {  	[simem:s6], [sflag:s4] =	dma.local [hbm:s3], $0xF7A  }
0x26: {  	[smem:$0x3F9D] =	sst s1;
	(tag) =	ssettag s2;
	_ =	strace s9  }
0x27: {  	s1 =	sld [smem:$0x3FAD]  }
0x28: {  	s2 =	sld [smem:$0x3FAE]  }
0x29: {  	s4 =	sld [smem:$0x3FB0]  }
0x2a: {  	p0 =	seq.s32 s5, $0x0;
	s5 =	sld [smem:$0x3FB1]  }
0x2b: {  	s6 =	sld [smem:$0x3FB2]  }
0x2c: {  	s7 =	sld [smem:$0x3FB3]  }
0x2d: {  	s3 =	simm.s32 $0x108;
	s8 =	sld [smem:$0x3FB4]  }
0x2e: {  	s3 =	simm.s32 @!p0 $0x1082;
	s9 =	sld [smem:$0x3FB5]  }
0x2f: {  	lr =	sadd.s32 s0, s3;
	s0 =	sld [smem:$0x3FAC]  }
0x30: {  	s3 =	sld [smem:$0x3FAF]  }
0x31: {  	[smem:$0x3FB8] =	sst s10  }
0x32: {  	s10 =	sld [smem:$0x3FB6];
	_ =	sdelay $0x3  }
0x33: {  	p0 =	seq.s32 s10, $0x1;
	s10 =	sld [smem:$0x3FB8];
	_ =	sdelay $0x3  }
0x34: {  	[smem:$0x3FB8] =	sst s10  }
0x35: {  	s10 =	sld [smem:$0x3FB7];
	_ =	sdelay $0x3  }
0x36: {  	p1 =	seq.s32 s10, $0x1;
	s10 =	sld [smem:$0x3FB8];
	_ =	sdelay $0x3  }
0x37: {  	[smem:$0x3FB8] =	sst s10  }
0x38: {  	s10 =	sld [smem:$0x3FB9]  }
0x39: {  	_ = 	snop;
	(pc) =	sbr.ind lr, $3  }
0x3a: {  	_ = 	snop  }
0x3b: {  	_ = 	snop  }
0x3c: {  	p2 =	seq.s32 s10, $0x1;
	s10 =	sld [smem:$0x3FB8]  }
0x3d: {  	_ =	shalt  }
0x3e: {  	_ =	shalt  }
0x3f: {  	_ =	shalt  }
0x40: {  	_ =	shalt  }
0x41: {  	_ =	shalt  }
0x42: {  	_ =	shalt  }
0x43: {  	_ =	shalt  }
0x44: {  	_ =	shalt  }
0x45: {  	_ =	shalt  }
0x46: {  	_ =	shalt  }
0x47: {  	_ =	shalt  }
0x48: {  	_ =	shalt  }
0x49: {  	_ =	shalt  }
0x4a: {  	_ =	shalt  }
0x4b: {  	_ =	shalt  }
0x4c: {  	_ =	shalt  }
0x4d: {  	_ =	shalt  }
0x4e: {  	_ =	shalt  }
0x4f: {  	_ =	shalt  }
0x50: {  	_ =	shalt  }
0x51: {  	_ =	shalt  }
0x52: {  	_ =	shalt  }
0x53: {  	_ =	shalt  }
0x54: {  	_ =	shalt  }
0x55: {  	_ =	shalt  }
0x56: {  	_ =	shalt  }
0x57: {  	_ =	shalt  }
0x58: {  	_ =	shalt  }
0x59: {  	_ =	shalt  }
0x5a: {  	_ =	shalt  }
0x5b: {  	_ =	shalt  }
0x5c: {  	_ =	shalt  }
0x5d: {  	_ =	shalt  }
0x5e: {  	_ =	shalt  }
0x5f: {  	_ =	shalt  }
0x60: {  	_ =	shalt  }
0x61: {  	_ =	shalt  }
0x62: {  	_ =	shalt  }
0x63: {  	_ =	shalt  }
0x64: {  	_ =	shalt  }
0x65: {  	_ =	shalt  }
0x66: {  	_ =	shalt  }
0x67: {  	_ =	shalt  }
0x68: {  	_ =	shalt  }
0x69: {  	_ =	shalt  }
0x6a: {  	_ =	shalt  }
0x6b: {  	_ =	shalt  }
0x6c: {  	_ =	shalt  }
0x6d: {  	_ =	shalt  }
0x6e: {  	_ =	shalt  }
0x6f: {  	_ =	shalt  }
0x70: {  	_ =	shalt  }
0x71: {  	_ =	shalt  }
0x72: {  	_ =	shalt  }
0x73: {  	_ =	shalt  }
0x74: {  	_ =	shalt  }
0x75: {  	_ =	shalt  }
0x76: {  	_ =	shalt  }
0x77: {  	_ =	shalt  }
0x78: {  	_ =	shalt  }
0x79: {  	_ =	shalt  }
0x7a: {  	_ =	shalt  }
0x7b: {  	_ =	shalt  }
0x7c: {  	_ =	shalt  }
0x7d: {  	_ =	shalt  }
0x7e: {  	_ =	shalt  }
0x7f: {  	_ =	shalt  }
0x80: {  	_ =	shalt  }
0x81: {  	_ =	shalt  }
0x82: {  	_ =	shalt  }
0x83: {  	_ =	shalt  }
0x84: {  	_ =	shalt  }
0x85: {  	_ =	shalt  }
0x86: {  	_ =	shalt  }
0x87: {  	_ =	shalt  }
.Lfunc_end0:
.L_simem_size_0:
called_computation.1_lowered:
.L_overlay_start_0:
0x88: {  	s2 =	sld [smem:$0x3FD9]  }
0x89: {  	s3 =	sld [smem:$0x3FFE];
	_ =	sdelay $0x1  }
0x8a: {  	s1 =	srdreg.scid  }
0x8b: {  	s0 =	sand.u32 $0x1, s1  }
0x8c: {  	s17 =	sshll.u32 s0, $0xA;
	s2 =	sadd.s32 s3, s2  }
0x8d: {  	s2 =	sadd.s32 s2, s17  }
0x8e: {  	[smem:$0x3FC4] =	sst s2  }
0x8f: {  	_ = 	snop  }
0x90: {  	s2 =	sld [smem:$0x3FD0];
	(tm) =	ssettm $0x1  }
0x91: {  	s18 =	sld [smem:$0x3FFB];
	_ =	sdelay $0x3  }
0x92: {  	_ =	strace s18  }
0x93: {  	s3 =	sld [smem:$0x3FFC];
	_ =	sdelay $0x3  }
0x94: {  	_ =	strace s3  }
0x95: {  	s3 =	sld [smem:$0x3FFD];
	_ =	sdelay $0x3  }
0x96: {  	_ =	strace s3  }
0x97: {  	_ =	strace $0x8FFFFFFF  }
0x98: {  	s19 =	sld [smem:$0x3FDB];
	_ =	sdelay $0x1  }
0x99: {  	s4 =	simm.s32 $_scs_section_size  }
0x9a: {  	s5 =	simm.s32 $_size__tile_overlayer_lowered;
	s6 =	simm.s32 $_tile_overlayer_lowered  }
0x9b: {  	s22 =	simm.s32 $0x1BFF;
	s21 =	sshll.u32 s6, $0x1;
	s3 =	sadd.s32 s4, s19  }
0x9c: {  	s7 =	simm.s32 $0x0;
	s20 =	sshll.u32 s5, $0x1;
	s5 =	sadd.s32 s21, s3  }
0x9d: {  	[timem:s7], [sflag:s22] =	dma.local [hbm:s5], s20  }
0x9e: {  	_ =	swait.ge [sflag:s22], s20  }
0x9f: {  	s4 =	ssub.s32 $0x0, s20;
	[sflag:s22] =	ssyncset.done $0x0  }
0xa0: {  	[sflag:s22] =	ssyncadd.s32 s4;
	_ =	sdelay $0x1  }
0xa1: {  	s23 =	simm.s32 $0x1B8B  }
0xa2: {  	_ =	swait.ge [sflag:s23], $0x1  }
0xa3: {  	[sflag:s23] =	ssyncset.done $0x0  }
0xa4: {  	s25 =	simm.s32 $0x1B8E;
	s24 =	sld [smem:$0x3FFE];
	[sflag:s23] =	ssyncadd.s32 $0xFFFFFFFF  }
0xa5: {  	s26 =	simm.s32 $execute0_lowered;
	[smem:$0x3FD2] =	sst s25  }
0xa6: {  	s5 =	sshll.u32 s26, $0x1;
	_ =	strace $0x80000046;
	[dreg:$0x1] =	wrdreg $0xFFFFFFFF  }
0xa7: {  	s28 =	simm.s32 $_size_execute0_lowered;
	s3 =	sadd.s32 s3, s5;
	[dreg:$0x0] =	wrdreg $0x0  }
0xa8: {  	s5 =	sshll.u32 s28, $0x1;
	[dreg:$0x2] =	wrdreg s3  }
0xa9: {  	[dreg:$0x3] =	wrdreg s5  }
0xaa: {  	[dreg:$0x4] =	wrdreg $0xC0  }
0xab: {  	_ =	task [dreg:s7], $0x5FFFF  }
0xac: {  	[dreg:$0x1] =	wrdreg $0xFFFFFFFF  }
0xad: {  	[dreg:$0x0] =	wrdreg $0x60  }
0xae: {  	[dreg:$0x2] =	wrdreg s24  }
0xaf: {  	[dreg:$0x3] =	wrdreg s2  }
0xb0: {  	[dreg:$0x4] =	wrdreg $0x1A9000  }
0xb1: {  	[dreg:$0x5] =	wrdreg $0x9  }
0xb2: {  	_ =	task.clear_ibuf [dreg:s7], $0x6FFFF;
	_ =	strace $0x90000046  }
0xb3: {  	s29 =	simm.s32 $0x9;
	_ =	strace $0x80000048  }
0xb4: {  	_ =	swait.ge [sflag:s29], $0x1  }
0xb5: {  	[sflag:s29] =	ssyncadd.s32 $0xFFFFFFFF  }
0xb6: {  	_ =	strace $0x90000048  }
0xb7: {  	_ =	sfence  }
0xb8: {  	s30 =	sld [smem:$0x0];
	_ =	sdelay $0x2  }
0xb9: {  	s31 =	sshll.u32 s1, $0xD;
	s1 =	sshrl.u32 s1, $0x2  }
0xba: {  	s3 =	sand.u32 $0x4000, s31;
	s1 =	sadd.s32 s1, s30  }
0xbb: {  	s0 =	sor.u32 s3, s0;
	s1 =	sshll.u32 s1, $0x11  }
0xbc: {  	s0 =	sor.u32 s1, s0  }
0xbd: {  	s0 =	sadd.s32 $0x8F2B, s0  }
0xbe: {  	[sflag:s0] =	ssyncadd.remote.s32 $0x1  }
0xbf: {  	_ =	sfence.sel $0xFFFF  }
0xc0: {  	[dreg:$0x0] =	wrdreg $0xFFFFFFFF;
	(pc) =	sbr.abs _section_cstart, $3  }
0xc1: {  	[dreg:$0x1] =	wrdreg $0xFFFFFFFF  }
0xc2: {  	_ =	task.clear_ibuf [dreg:s7], $0x2FFFF;
	_ =	strace $0x9FFFFFFF  }
0xc3: {  	(tm) =	ssettm $0x7FFFFFFF  }
tec
execute0_lowered:
.L_overlay_start_1:
0x0: {  	(tag) =	ssettag $0x1  }
0x1: {  	s0 =	rddreg [dreg:$0x0]  }
0x2: {  	s11 =	rddreg [dreg:$0x1]  }
0x3: {  	s3 =	rddreg [dreg:$0x2];
	s1 =	srdreg.scid;
	s4 =	simm.s32 $0x0  }
0x4: {  	s10 =	stileid.u32;
	s16 =	simm.s32 $0x1;
	s28 =	simm.s32 $0x15E0  }
0x5: {  	s29 =	simm.s32 $0x17700;
	s30 =	simm.s32 $0x16A8;
	s31 =	simm.s32 $0x18380  }
0x6: {  	s1 =	sand.u32 $0x1, s1;
	[smem:$0x7FF] =	sst s4;
	s2 =	sshll.u32 s10, $0xA  }
0x7: {  	s17 =	sadd.s32 $0x1400, s0;
	s0 =	sadd.s32 $0xC00, s0;
	s8 =	smul.u32 $0x6400, s10  }
0x8: {  	s19 =	sshll.u32 s10, $0x6;
	s21 =	smul.u32 $0x64000, s10;
	s26 =	sshrl.u32 s3, $0x3  }
0x9: {  	s5 =	sshll.u32 s1, $0x9;
	_ =	strace $0x80000047;
	s9 =	smul.u32 $0x3200, s1  }
0xa: {  	s6 =	ssub.s32 $0x2, s1;
	[dreg:$0x4] =	wrdreg s0;
	s22 =	smul.u32 $0x32000, s1  }
0xb: {  	[dreg:$0xb] =	wrdreg s26;
	s1 =	simm.s32 $0x14500;
	s26 =	simm.s32 $0x4  }
0xc: {  	s2 =	sor.u32 s5, s2;
	s18 =	sshrl.u32 s6, $0x1;
	s23 =	sadd.s32 s8, s17  }
0xd: {  	s24 =	sadd.s32 s21, s11;
	s21 =	simm.s32 $0x1450;
	s7 =	smul.u32 $0x19, s2  }
0xe: {  	s5 =	simm.s32 $0x1838;
	s8 =	simm.s32 $0x3;
	s2 =	smul.u32 $0xC80, s2  }
0xf: {  	s0 =	ssub.s32 s6, s18;
	s6 =	sor.u32 $0x1C07, s19;
	s18 =	simm.s32 $0x1900  }
0x10: {  	s19 =	simm.s32 $0x1388;
	[dreg:$0x5] =	wrdreg s6;
	s0 =	smax.u32 s0, $0x1  }
0x11: {  	s20 =	sshrl.u32 s2, $0x3;
	s12 =	sadd.s32 s17, s7;
	[dreg:$0x8] =	wrdreg s0  }
0x12: {  	s25 =	sadd.s32 $0xFFFF3800, s2;
	s0 =	sadd.s32 s22, s24;
	s17 =	simm.s32 $0xC8  }
0x13: {  	s24 =	simm.s32 $0x2;
	s22 =	simm.s32 $0x15E00;
	s2 =	simm.s32 $0x19000  }
.Ltmp0:
0x14: {  	s6 =	sadd.s32 s11, s20;
	[dreg:$0x6] =	wrdreg s12;
	(pc) =	sbr.rel .LBB2_1-.Ltmp0, $4  }
0x15: {  	s10 =	sadd.s32 $0x190, s12;
	s11 =	sadd.s32 s9, s23;
	[dreg:$0x9] =	wrdreg s25  }
0x16: {  	[dreg:$0xa] =	wrdreg s0;
	s20 =	simm.s32 $0x15180;
	s23 =	simm.s32 $0x1518  }
0x17: {  	s25 =	simm.s32 $0x16A80;
	s0 =	simm.s32 $0x1770;
	s6 =	sadd.s32 $0x30700, s6  }
0x18: {  	s12 =	simm.s32 $0x0;
	[dreg:$0x7] =	wrdreg s6;
	s6 =	simm.s32 $0x19C80  }
.LBB2_4:
0x19: {  	_ =	swait.ge [sflag:s26], $0xC80  }
0x1a: {  	[sflag:s26] =	ssyncset.done $0x0  }
0x1b: {  	[sflag:s26] =	ssyncadd.s32 $0xFFFFF380  }
0x1c: {  	_ =	swait.ge [sflag:s26], $0xC80  }
0x1d: {  	[sflag:s26] =	ssyncset.done $0x0  }
0x1e: {  	[sflag:s26] =	ssyncadd.s32 $0xFFFFF380  }
0x1f: {  	_ =	swait.ge [sflag:s26], $0xC80  }
0x20: {  	[sflag:s26] =	ssyncset.done $0x0  }
0x21: {  	[sflag:s26] =	ssyncadd.s32 $0xFFFFF380  }
0x22: {  	_ =	swait.ge [sflag:s26], $0xC80  }
0x23: {  	[sflag:s26] =	ssyncset.done $0x0  }
0x24: {  	[sflag:s26] =	ssyncadd.s32 $0xFFFFF380  }
0x25: {  	_ =	swait.ge [sflag:s26], $0xC80  }
0x26: {  	[sflag:s26] =	ssyncset.done $0x0  }
0x27: {  	[sflag:s26] =	ssyncadd.s32 $0xFFFFF380  }
0x28: {  	_ =	swait.ge [sflag:s26], $0xC80  }
0x29: {  	[sflag:s26] =	ssyncset.done $0x0  }
0x2a: {  	[sflag:s26] =	ssyncadd.s32 $0xFFFFF380  }
0x2b: {  	_ =	swait.ge [sflag:s26], $0xC80  }
0x2c: {  	[sflag:s26] =	ssyncset.done $0x0  }
0x2d: {  	[sflag:s26] =	ssyncadd.s32 $0xFFFFF380  }
0x2e: {  	_ =	swait.ge [sflag:s26], $0xC80  }
0x2f: {  	[sflag:s26] =	ssyncset.done $0x0  }
0x30: {  	[sflag:s26] =	ssyncadd.s32 $0xFFFFF380  }
0x31: {  	_ =	swait.ge [sflag:s26], $0xC80  }
0x32: {  	[sflag:s26] =	ssyncset.done $0x0  }
0x33: {  	[sflag:s26] =	ssyncadd.s32 $0xFFFFF380  }
0x34: {  	_ =	swait.ge [sflag:s26], $0xC80  }
0x35: {  	[sflag:s26] =	ssyncset.done $0x0  }
0x36: {  	[sflag:s26] =	ssyncadd.s32 $0xFFFFF380  }
0x37: {  	_ =	swait.ge [sflag:s26], $0xC80  }
0x38: {  	[sflag:s26] =	ssyncset.done $0x0  }
0x39: {  	[sflag:s26] =	ssyncadd.s32 $0xFFFFF380  }
0x3a: {  	_ =	swait.ge [sflag:s26], $0xC80  }
0x3b: {  	[sflag:s26] =	ssyncset.done $0x0  }
0x3c: {  	[sflag:s26] =	ssyncadd.s32 $0xFFFFF380  }
0x3d: {  	_ =	swait.ge [sflag:s26], $0xC80  }
0x3e: {  	[sflag:s26] =	ssyncset.done $0x0  }
0x3f: {  	[sflag:s26] =	ssyncadd.s32 $0xFFFFF380  }
0x40: {  	_ =	swait.ge [sflag:s26], $0xC80  }
0x41: {  	[sflag:s26] =	ssyncset.done $0x0  }
0x42: {  	[sflag:s26] =	ssyncadd.s32 $0xFFFFF380  }
0x43: {  	_ =	swait.ge [sflag:s26], $0xC80  }
0x44: {  	[sflag:s26] =	ssyncset.done $0x0  }
0x45: {  	[sflag:s26] =	ssyncadd.s32 $0xFFFFF380  }
0x46: {  	_ =	swait.ge [sflag:s26], $0xC80  }
0x47: {  	[sflag:s26] =	ssyncset.done $0x0  }
0x48: {  	s7 =	simm.s32 $0x5;
	[sflag:s26] =	ssyncadd.s32 $0xFFFFF380  }
0x49: {  	_ =	swait.ge [sflag:s7], $0xC800  }
0x4a: {  	s9 =	simm.s32 $0xE100;
	[sflag:s7] =	ssyncset.done $0x0  }
0x4b: {  	s14 =	simm.s32 $0x6;
	s13 =	rddreg [dreg:$0x7];
	[sflag:s7] =	ssyncadd.s32 $0xFFFF3800  }
0x4c: {  	[hbm4b:s13+s4] =	stream.linear.scatter [tilespmem:s9], [sflag:$0x6], $0xC800, $0x38;
	[tilespmem:$0x1AD00] =	vst v63  }
0x4d: {  	_ =	swait.ge [sflag:s14], $0xC800  }
0x4e: {  	s12 =	rddreg [dreg:$0xc]  }
0x4f: {  	s15 =	rddreg [dreg:$0x8];
	s12 =	sadd.s32 $0x1, s12  }
0x50: {  	p0 =	sne.s32 s12, s15  }
.Ltmp1:
0x51: {  	_ = 	snop;
	(pc) =	sbr.rel @!p0 .LBB2_5-.Ltmp1, $3  }
0x52: {  	_ =	sdelay $0x1  }
0x53: {  	[sflag:s14] =	ssyncset.done $0x0  }
0x54: {  	[sflag:s14] =	ssyncadd.s32 $0xFFFF3800  }
.LBB2_1:
0x55: {  	[dreg:$0xc] =	wrdreg s12  }
0x56: {  	s7 =	rddreg [dreg:$0x4]  }
0x57: {  	s9 =	rddreg [dreg:$0x5]  }
0x58: {  	s13 =	rddreg [dreg:$0xb];
	s14 =	simm.s32 $0x7  }
0x59: {  	[spmem:s13], [sflag:s9] =	dma.local [hbm:s7], $0x800  }
0x5a: {  	_ =	swait.ge [sflag:s14], $0x800  }
0x5b: {  	s15 =	rddreg [dreg:$0x6]  }
0x5c: {  	[sflag:s14] =	ssyncset.done $0x0;
	s9 =	rddreg [dreg:$0xa]  }
0x5d: {  	s7 =	rddreg [dreg:$0x9];
	[sflag:s14] =	ssyncadd.s32 $0xFFFFF800;
	s14 =	simm.s32 $0x0  }
0x5e: {  	[tilespmem:s4], [sflag:$0x1] =	stream.linear.gather [hbm4b:s15+s4], $0xC80, $0x38;
	[tilespmem:$0x1AD00] =	vst v63  }
.LBB2_2:
0x5f: {  	p0 =	seq.s32 s14, $0x0  }
0x60: {  	s12 =	simm.s32 @!p0 $0x5  }
0x61: {  	_ =	swait.ge @!p0 [sflag:s12], $0xC800  }
0x62: {  	[sflag:s12] =	ssyncset.done @!p0 $0x0  }
0x63: {  	[sflag:s12] =	ssyncadd.s32 @!p0 $0xFFFF3800  }
0x64: {  	_ =	swait.ge [sflag:s16], $0xC80  }
0x65: {  	[sflag:s16] =	ssyncset.done $0x0  }
0x66: {  	[sflag:s16] =	ssyncadd.s32 $0xFFFFF380  }
0x67: {  	[tilespmem:s18], [sflag:$0x3] =	stream.indirect.gather [spmem:s3], $0x10, s4, s17, $0xb8;
	[tilespmem:$0x1AD00] =	vst v63  }
0x68: {  	s13 =	simm.s32 $0x2580  }
0x69: {  	[tilespmem:s13], [sflag:$0x3] =	stream.indirect.gather [spmem:s3], $0x10, s17, s17, $0xb8;
	[tilespmem:$0x1AD00] =	vst v63  }
0x6a: {  	s15 =	simm.s32 $0x190;
	s13 =	simm.s32 $0x3200  }
0x6b: {  	[tilespmem:s13], [sflag:$0x3] =	stream.indirect.gather [spmem:s3], $0x10, s15, s17, $0xb8;
	[tilespmem:$0x1AD00] =	vst v63  }
0x6c: {  	s13 =	simm.s32 $0x258;
	s15 =	simm.s32 $0x3E80  }
0x6d: {  	[tilespmem:s15], [sflag:$0x3] =	stream.indirect.gather [spmem:s3], $0x10, s13, s17, $0xb8;
	[tilespmem:$0x1AD00] =	vst v63  }
0x6e: {  	s13 =	simm.s32 $0x320;
	s15 =	simm.s32 $0x4B00  }
0x6f: {  	[tilespmem:s15], [sflag:$0x3] =	stream.indirect.gather [spmem:s3], $0x10, s13, s17, $0xb8;
	[tilespmem:$0x1AD00] =	vst v63  }
0x70: {  	s13 =	simm.s32 $0x3E8;
	s15 =	simm.s32 $0x5780  }
0x71: {  	[tilespmem:s15], [sflag:$0x3] =	stream.indirect.gather [spmem:s3], $0x10, s13, s17, $0xb8;
	[tilespmem:$0x1AD00] =	vst v63  }
0x72: {  	s13 =	simm.s32 $0x4B0;
	s15 =	simm.s32 $0x6400  }
0x73: {  	[tilespmem:s15], [sflag:$0x3] =	stream.indirect.gather [spmem:s3], $0x10, s13, s17, $0xb8;
	[tilespmem:$0x1AD00] =	vst v63  }
0x74: {  	s13 =	simm.s32 $0x578;
	s15 =	simm.s32 $0x7080  }
0x75: {  	[tilespmem:s15], [sflag:$0x3] =	stream.indirect.gather [spmem:s3], $0x10, s13, s17, $0xb8;
	[tilespmem:$0x1AD00] =	vst v63  }
0x76: {  	s13 =	simm.s32 $0x640;
	s15 =	simm.s32 $0x7D00  }
0x77: {  	[tilespmem:s15], [sflag:$0x3] =	stream.indirect.gather [spmem:s3], $0x10, s13, s17, $0xb8;
	[tilespmem:$0x1AD00] =	vst v63  }
0x78: {  	s13 =	simm.s32 $0x708;
	s15 =	simm.s32 $0x8980  }
0x79: {  	[tilespmem:s15], [sflag:$0x3] =	stream.indirect.gather [spmem:s3], $0x10, s13, s17, $0xb8;
	[tilespmem:$0x1AD00] =	vst v63  }
0x7a: {  	s13 =	simm.s32 $0x7D0;
	s15 =	simm.s32 $0x9600  }
0x7b: {  	[tilespmem:s15], [sflag:$0x3] =	stream.indirect.gather [spmem:s3], $0x10, s13, s17, $0xb8;
	[tilespmem:$0x1AD00] =	vst v63  }
0x7c: {  	s13 =	simm.s32 $0x898;
	s15 =	simm.s32 $0xA280  }
0x7d: {  	[tilespmem:s15], [sflag:$0x3] =	stream.indirect.gather [spmem:s3], $0x10, s13, s17, $0xb8;
	[tilespmem:$0x1AD00] =	vst v63  }
0x7e: {  	s13 =	simm.s32 $0x960;
	s15 =	simm.s32 $0xAF00  }
0x7f: {  	[tilespmem:s15], [sflag:$0x3] =	stream.indirect.gather [spmem:s3], $0x10, s13, s17, $0xb8;
	[tilespmem:$0x1AD00] =	vst v63  }
0x80: {  	s13 =	simm.s32 $0xA28;
	s15 =	simm.s32 $0xBB80  }
0x81: {  	[tilespmem:s15], [sflag:$0x3] =	stream.indirect.gather [spmem:s3], $0x10, s13, s17, $0xb8;
	[tilespmem:$0x1AD00] =	vst v63  }
0x82: {  	s13 =	simm.s32 $0xAF0;
	s15 =	simm.s32 $0xC800  }
0x83: {  	[tilespmem:s15], [sflag:$0x3] =	stream.indirect.gather [spmem:s3], $0x10, s13, s17, $0xb8;
	[tilespmem:$0x1AD00] =	vst v63  }
0x84: {  	s13 =	simm.s32 $0xBB8;
	s15 =	simm.s32 $0xD480  }
0x85: {  	[tilespmem:s15], [sflag:$0x3] =	stream.indirect.gather [spmem:s3], $0x10, s13, s17, $0xb8;
	[tilespmem:$0x1AD00] =	vst v63  }
0x86: {  	s12 =	simm.s32 @p0 $0x0;
	s13 =	simm.s32 @p0 $0xC80  }
0x87: {  	[tilespmem:s13], [sflag:$0x2] =	stream.linear.gather @p0 [hbm4b:s10+s12], $0xC80, $0x38;
	[tilespmem:$0x1AD00] =	vst v63  }
0x88: {  	s12 =	simm.s32 @!p0 $0x4  }
0x89: {  	_ =	swait.ge @!p0 [sflag:s12], $0xC80  }
0x8a: {  	[sflag:s12] =	ssyncset.done @!p0 $0x0  }
0x8b: {  	[sflag:s12] =	ssyncadd.s32 @!p0 $0xFFFFF380  }
0x8c: {  	_ =	swait.ge @!p0 [sflag:s12], $0xC80  }
0x8d: {  	[sflag:s12] =	ssyncset.done @!p0 $0x0  }
0x8e: {  	[sflag:s12] =	ssyncadd.s32 @!p0 $0xFFFFF380  }
0x8f: {  	_ =	swait.ge @!p0 [sflag:s12], $0xC80  }
0x90: {  	[sflag:s12] =	ssyncset.done @!p0 $0x0  }
0x91: {  	[sflag:s12] =	ssyncadd.s32 @!p0 $0xFFFFF380  }
0x92: {  	_ =	swait.ge @!p0 [sflag:s12], $0xC80  }
0x93: {  	[sflag:s12] =	ssyncset.done @!p0 $0x0  }
0x94: {  	[sflag:s12] =	ssyncadd.s32 @!p0 $0xFFFFF380  }
0x95: {  	_ =	swait.ge @!p0 [sflag:s12], $0xC80  }
0x96: {  	[sflag:s12] =	ssyncset.done @!p0 $0x0  }
0x97: {  	[sflag:s12] =	ssyncadd.s32 @!p0 $0xFFFFF380  }
0x98: {  	_ =	swait.ge @!p0 [sflag:s12], $0xC80  }
0x99: {  	[sflag:s12] =	ssyncset.done @!p0 $0x0  }
0x9a: {  	[sflag:s12] =	ssyncadd.s32 @!p0 $0xFFFFF380  }
0x9b: {  	_ =	swait.ge @!p0 [sflag:s12], $0xC80  }
0x9c: {  	[sflag:s12] =	ssyncset.done @!p0 $0x0  }
0x9d: {  	[sflag:s12] =	ssyncadd.s32 @!p0 $0xFFFFF380  }
0x9e: {  	_ =	swait.ge @!p0 [sflag:s12], $0xC80  }
0x9f: {  	[sflag:s12] =	ssyncset.done @!p0 $0x0  }
0xa0: {  	[sflag:s12] =	ssyncadd.s32 @!p0 $0xFFFFF380  }
0xa1: {  	_ =	swait.ge @!p0 [sflag:s12], $0xC80  }
0xa2: {  	[sflag:s12] =	ssyncset.done @!p0 $0x0  }
0xa3: {  	[sflag:s12] =	ssyncadd.s32 @!p0 $0xFFFFF380  }
0xa4: {  	_ =	swait.ge @!p0 [sflag:s12], $0xC80  }
0xa5: {  	[sflag:s12] =	ssyncset.done @!p0 $0x0  }
0xa6: {  	[sflag:s12] =	ssyncadd.s32 @!p0 $0xFFFFF380  }
0xa7: {  	_ =	swait.ge @!p0 [sflag:s12], $0xC80  }
0xa8: {  	[sflag:s12] =	ssyncset.done @!p0 $0x0  }
0xa9: {  	[sflag:s12] =	ssyncadd.s32 @!p0 $0xFFFFF380  }
0xaa: {  	_ =	swait.ge @!p0 [sflag:s12], $0xC80  }
0xab: {  	[sflag:s12] =	ssyncset.done @!p0 $0x0  }
0xac: {  	[sflag:s12] =	ssyncadd.s32 @!p0 $0xFFFFF380  }
0xad: {  	_ =	swait.ge @!p0 [sflag:s12], $0xC80  }
0xae: {  	[sflag:s12] =	ssyncset.done @!p0 $0x0  }
0xaf: {  	[sflag:s12] =	ssyncadd.s32 @!p0 $0xFFFFF380  }
0xb0: {  	_ =	swait.ge @!p0 [sflag:s12], $0xC80  }
0xb1: {  	[sflag:s12] =	ssyncset.done @!p0 $0x0  }
0xb2: {  	[sflag:s12] =	ssyncadd.s32 @!p0 $0xFFFFF380  }
0xb3: {  	_ =	swait.ge @!p0 [sflag:s12], $0xC80  }
0xb4: {  	[sflag:s12] =	ssyncset.done @!p0 $0x0  }
0xb5: {  	[sflag:s12] =	ssyncadd.s32 @!p0 $0xFFFFF380  }
0xb6: {  	_ =	swait.ge @!p0 [sflag:s12], $0xC80  }
0xb7: {  	[sflag:s12] =	ssyncset.done @!p0 $0x0  }
0xb8: {  	[sflag:s12] =	ssyncadd.s32 @!p0 $0xFFFFF380  }
0xb9: {  	s12 =	sshrl.u32 @!p0 s7, $0x3;
	s13 =	rddreg [dreg:$0x1]  }
0xba: {  	s15 =	simm.s32 @!p0 $0xE100;
	s12 =	sadd.s32 @!p0 s13, s12;
	s13 =	simm.s32 @!p0 $0x0  }
0xbb: {  	[hbm4b:s12+s13] =	stream.linear.scatter @!p0 [tilespmem:s15], [sflag:$0x6], $0xC800, $0x38;
	[tilespmem:$0x1AD00] =	vst v63  }
0xbc: {  	s12 =	sadd.s32 @!p0 s14, s11  }
0xbd: {  	s15 =	simm.s32 @!p0 $0xC80;
	s12 =	sadd.s32 @!p0 $0x190, s12  }
0xbe: {  	[tilespmem:s15], [sflag:$0x2] =	stream.linear.gather @!p0 [hbm4b:s12+s13], $0xC80, $0x38;
	[tilespmem:$0x1AD00] =	vst v63  }
0xbf: {  	s12 =	simm.s32 @!p0 $0x6  }
0xc0: {  	_ =	swait.ge @!p0 [sflag:s12], $0xC800  }
0xc1: {  	[sflag:s12] =	ssyncset.done @!p0 $0x0  }
0xc2: {  	[sflag:s12] =	ssyncadd.s32 @!p0 $0xFFFF3800  }
0xc3: {  	_ =	swait.ge [sflag:s24], $0xC80  }
0xc4: {  	[sflag:s24] =	ssyncset.done $0x0  }
0xc5: {  	s13 =	simm.s32 $0xC80;
	s15 =	simm.s32 $0xE100;
	[sflag:s24] =	ssyncadd.s32 $0xFFFFF380  }
0xc6: {  	[tilespmem:s15], [sflag:$0x4] =	stream.indirect.gather [spmem:s3], $0x10, s13, s17, $0xb8;
	[tilespmem:$0x1AD00] =	vst v63  }
0xc7: {  	s13 =	simm.s32 $0xD48;
	s15 =	simm.s32 $0xED80  }
0xc8: {  	[tilespmem:s15], [sflag:$0x4] =	stream.indirect.gather [spmem:s3], $0x10, s13, s17, $0xb8;
	[tilespmem:$0x1AD00] =	vst v63  }
0xc9: {  	s13 =	simm.s32 $0xE10;
	s15 =	simm.s32 $0xFA00  }
0xca: {  	[tilespmem:s15], [sflag:$0x4] =	stream.indirect.gather [spmem:s3], $0x10, s13, s17, $0xb8;
	[tilespmem:$0x1AD00] =	vst v63  }
0xcb: {  	s13 =	simm.s32 $0xED8;
	s15 =	simm.s32 $0x10680  }
0xcc: {  	[tilespmem:s15], [sflag:$0x4] =	stream.indirect.gather [spmem:s3], $0x10, s13, s17, $0xb8;
	[tilespmem:$0x1AD00] =	vst v63  }
0xcd: {  	s13 =	simm.s32 $0xFA0;
	s15 =	simm.s32 $0x11300  }
0xce: {  	[tilespmem:s15], [sflag:$0x4] =	stream.indirect.gather [spmem:s3], $0x10, s13, s17, $0xb8;
	[tilespmem:$0x1AD00] =	vst v63  }
0xcf: {  	s13 =	simm.s32 $0x1068;
	s15 =	simm.s32 $0x11F80  }
0xd0: {  	[tilespmem:s15], [sflag:$0x4] =	stream.indirect.gather [spmem:s3], $0x10, s13, s17, $0xb8;
	[tilespmem:$0x1AD00] =	vst v63  }
0xd1: {  	s13 =	simm.s32 $0x1130;
	s15 =	simm.s32 $0x12C00  }
0xd2: {  	[tilespmem:s15], [sflag:$0x4] =	stream.indirect.gather [spmem:s3], $0x10, s13, s17, $0xb8;
	[tilespmem:$0x1AD00] =	vst v63  }
0xd3: {  	s13 =	simm.s32 $0x11F8;
	s15 =	simm.s32 $0x13880  }
0xd4: {  	[tilespmem:s15], [sflag:$0x4] =	stream.indirect.gather [spmem:s3], $0x10, s13, s17, $0xb8;
	[tilespmem:$0x1AD00] =	vst v63  }
0xd5: {  	s15 =	simm.s32 $0x12C0  }
0xd6: {  	[tilespmem:s1], [sflag:$0x4] =	stream.indirect.gather [spmem:s3], $0x10, s15, s17, $0xb8;
	[tilespmem:$0x1AD00] =	vst v63  }
0xd7: {  	_ = 	snop  }
0xd8: {  	[tilespmem:s20], [sflag:$0x4] =	stream.indirect.gather [spmem:s3], $0x10, s19, s17, $0xb8;
	[tilespmem:$0x1AD00] =	vst v63  }
0xd9: {  	_ = 	snop  }
0xda: {  	[tilespmem:s22], [sflag:$0x4] =	stream.indirect.gather [spmem:s3], $0x10, s21, s17, $0xb8;
	[tilespmem:$0x1AD00] =	vst v63  }
0xdb: {  	_ = 	snop  }
0xdc: {  	[tilespmem:s25], [sflag:$0x4] =	stream.indirect.gather [spmem:s3], $0x10, s23, s17, $0xb8;
	[tilespmem:$0x1AD00] =	vst v63  }
0xdd: {  	_ = 	snop  }
0xde: {  	[tilespmem:s29], [sflag:$0x4] =	stream.indirect.gather [spmem:s3], $0x10, s28, s17, $0xb8;
	[tilespmem:$0x1AD00] =	vst v63  }
0xdf: {  	_ = 	snop  }
0xe0: {  	[tilespmem:s31], [sflag:$0x4] =	stream.indirect.gather [spmem:s3], $0x10, s30, s17, $0xb8;
	[tilespmem:$0x1AD00] =	vst v63  }
0xe1: {  	_ = 	snop  }
0xe2: {  	[tilespmem:s2], [sflag:$0x4] =	stream.indirect.gather [spmem:s3], $0x10, s0, s17, $0xb8;
	[tilespmem:$0x1AD00] =	vst v63  }
0xe3: {  	_ = 	snop  }
0xe4: {  	[tilespmem:s6], [sflag:$0x4] =	stream.indirect.gather [spmem:s3], $0x10, s5, s17, $0xb8;
	[tilespmem:$0x1AD00] =	vst v63  }
0xe5: {  	_ =	swait.ge [sflag:s8], $0xC80  }
0xe6: {  	[sflag:s8] =	ssyncset.done $0x0  }
0xe7: {  	[sflag:s8] =	ssyncadd.s32 $0xFFFFF380  }
0xe8: {  	_ =	swait.ge [sflag:s8], $0xC80  }
0xe9: {  	[sflag:s8] =	ssyncset.done $0x0  }
0xea: {  	[sflag:s8] =	ssyncadd.s32 $0xFFFFF380  }
0xeb: {  	_ =	swait.ge [sflag:s8], $0xC80  }
0xec: {  	[sflag:s8] =	ssyncset.done $0x0  }
0xed: {  	[sflag:s8] =	ssyncadd.s32 $0xFFFFF380  }
0xee: {  	_ =	swait.ge [sflag:s8], $0xC80  }
0xef: {  	[sflag:s8] =	ssyncset.done $0x0  }
0xf0: {  	[sflag:s8] =	ssyncadd.s32 $0xFFFFF380  }
0xf1: {  	_ =	swait.ge [sflag:s8], $0xC80  }
0xf2: {  	[sflag:s8] =	ssyncset.done $0x0  }
0xf3: {  	[sflag:s8] =	ssyncadd.s32 $0xFFFFF380  }
0xf4: {  	_ =	swait.ge [sflag:s8], $0xC80  }
0xf5: {  	[sflag:s8] =	ssyncset.done $0x0  }
0xf6: {  	[sflag:s8] =	ssyncadd.s32 $0xFFFFF380  }
0xf7: {  	_ =	swait.ge [sflag:s8], $0xC80  }
0xf8: {  	[sflag:s8] =	ssyncset.done $0x0  }
0xf9: {  	[sflag:s8] =	ssyncadd.s32 $0xFFFFF380  }
0xfa: {  	_ =	swait.ge [sflag:s8], $0xC80  }
0xfb: {  	[sflag:s8] =	ssyncset.done $0x0  }
0xfc: {  	[sflag:s8] =	ssyncadd.s32 $0xFFFFF380  }
0xfd: {  	_ =	swait.ge [sflag:s8], $0xC80  }
0xfe: {  	[sflag:s8] =	ssyncset.done $0x0  }
0xff: {  	[sflag:s8] =	ssyncadd.s32 $0xFFFFF380  }
0x100: {  	_ =	swait.ge [sflag:s8], $0xC80  }
0x101: {  	[sflag:s8] =	ssyncset.done $0x0  }
0x102: {  	[sflag:s8] =	ssyncadd.s32 $0xFFFFF380  }
0x103: {  	_ =	swait.ge [sflag:s8], $0xC80  }
0x104: {  	[sflag:s8] =	ssyncset.done $0x0  }
0x105: {  	[sflag:s8] =	ssyncadd.s32 $0xFFFFF380  }
0x106: {  	_ =	swait.ge [sflag:s8], $0xC80  }
0x107: {  	[sflag:s8] =	ssyncset.done $0x0  }
0x108: {  	[sflag:s8] =	ssyncadd.s32 $0xFFFFF380  }
0x109: {  	_ =	swait.ge [sflag:s8], $0xC80  }
0x10a: {  	[sflag:s8] =	ssyncset.done $0x0  }
0x10b: {  	[sflag:s8] =	ssyncadd.s32 $0xFFFFF380  }
0x10c: {  	_ =	swait.ge [sflag:s8], $0xC80  }
0x10d: {  	[sflag:s8] =	ssyncset.done $0x0  }
0x10e: {  	[sflag:s8] =	ssyncadd.s32 $0xFFFFF380  }
0x10f: {  	_ =	swait.ge [sflag:s8], $0xC80  }
0x110: {  	p0 =	seq.s32 s14, $0x2EE0;
	[sflag:s8] =	ssyncset.done $0x0  }
.Ltmp2:
0x111: {  	[sflag:s8] =	ssyncadd.s32 $0xFFFFF380;
	(pc) =	sbr.rel @p0 .LBB2_4-.Ltmp2, $4  }
0x112: {  	_ =	swait.ge [sflag:s8], $0xC80  }
0x113: {  	[sflag:s8] =	ssyncset.done $0x0  }
0x114: {  	[sflag:s8] =	ssyncadd.s32 $0xFFFFF380  }
0x115: {  	[hbm4b:s9+s4] =	stream.linear.scatter [tilespmem:s18], [sflag:$0x5], $0xC800, $0x38;
	[tilespmem:$0x1AD00] =	vst v63  }
.Ltmp3:
0x116: {  	(pc) =	sbr.rel .LBB2_2-.Ltmp3, $4  }
0x117: {  	_ = 	snop  }
0x118: {  	s12 =	sadd.s32 s14, s11;
	s14 =	sadd.s32 $0x320, s14  }
0x119: {  	s7 =	sadd.s32 $0x19000, s7;
	s9 =	sadd.s32 $0x3200, s9;
	s12 =	sadd.s32 $0x320, s12  }
0x11a: {  	[tilespmem:s4], [sflag:$0x1] =	stream.linear.gather [hbm4b:s12+s4], $0xC80, $0x38;
	[tilespmem:$0x1AD00] =	vst v63  }
.LBB2_5:
0x11b: {  	_ =	sfence.sel $0x180000  }
0x11c: {  	[bflag:$0x0] =	sbarrier.arrive $0xFFFF  }
0x11d: {  	_ =	strace $0x90000047  }
0x11e: {  	s0 =	stileid.u32;
	[bflag:$0x2] =	sbarrier.arrive $0xFFFF  }
0x11f: {  	p0 =	sne.s32 s0, $0x0;
	s0 =	rddreg [dreg:$0x3]  }
0x120: {  	s0 =	sadd.s32 @!p0 $0x100000, s0  }
0x121: {  	[sflag:s0] =	ssyncadd.tile.s32 @!p0 $0x1;
	_ =	shalt  }
.Lfunc_end2:
_tile_overlayer_lowered:
.L_overlay_start_2:
0x122: {  	(tag) =	ssettag $0x2  }
0x123: {  	s0 =	rddreg [dreg:$0x0];
	s2 =	stileid.u32  }
0x124: {  	s1 =	rddreg [dreg:$0x1];
	p0 =	sne.s32 s2, $0x0  }
0x125: {  	s3 =	rddreg [dreg:$0x2];
	[bflag:$0x3] =	sbarrier.arrive $0xFFFF;
	s2 =	simm.s32 @!p0 $0x1C07  }
0x126: {  	[timem:s3], [sflag:s2] =	dma.local @!p0 [hbm:s0], s1  }
0x127: {  	s0 =	simm.s32 @!p0 $0x7  }
0x128: {  	_ =	swait.ge @!p0 [sflag:s0], s1  }
0x129: {  	s1 =	ssub.s32 @!p0 $0x0, s1;
	[sflag:s0] =	ssyncset.done @!p0 $0x0  }
0x12a: {  	[sflag:s0] =	ssyncadd.s32 @!p0 s1  }
0x12b: {  	[bflag:$0x3] =	sbarrier.arrive $0xFFFF  }
0x12c: {  	_ =	shalt  }

// kernel: sparse-core-data-format-call.cloned.1.call-start
scs
called_computation_lowered:
.L_overlay_start_0:
0x0: {  	s2 =	sld [smem:$0x3FD9]  }
0x1: {  	s3 =	sld [smem:$0x3FFE];
	_ =	sdelay $0x1  }
0x2: {  	s1 =	srdreg.scid  }
0x3: {  	s0 =	sand.u32 $0x1, s1  }
0x4: {  	s18 =	sshll.u32 s0, $0xA;
	s2 =	sadd.s32 s3, s2  }
0x5: {  	s2 =	sadd.s32 s2, s18  }
0x6: {  	[smem:$0x3FC4] =	sst s2  }
0x7: {  	_ = 	snop  }
0x8: {  	s2 =	sld [smem:$0x3FD0];
	(tm) =	ssettm $0x1  }
0x9: {  	s19 =	sld [smem:$0x3FFB];
	_ =	sdelay $0x3  }
0xa: {  	_ =	strace s19  }
0xb: {  	s3 =	sld [smem:$0x3FFC];
	_ =	sdelay $0x3  }
0xc: {  	_ =	strace s3  }
0xd: {  	s3 =	sld [smem:$0x3FFD];
	_ =	sdelay $0x3  }
0xe: {  	_ =	strace s3  }
0xf: {  	_ =	strace $0x8FFFFFFF  }
0x10: {  	s20 =	sld [smem:$0x3FDB];
	_ =	sdelay $0x1  }
0x11: {  	s4 =	simm.s32 $_scs_section_size  }
0x12: {  	s5 =	simm.s32 $_size__tile_overlayer_lowered;
	s6 =	simm.s32 $_tile_overlayer_lowered  }
0x13: {  	s23 =	simm.s32 $0x1BFF;
	s22 =	sshll.u32 s6, $0x1;
	s3 =	sadd.s32 s4, s20  }
0x14: {  	s7 =	simm.s32 $0x0;
	s21 =	sshll.u32 s5, $0x1;
	s5 =	sadd.s32 s22, s3  }
0x15: {  	[timem:s7], [sflag:s23] =	dma.local [hbm:s5], s21  }
0x16: {  	_ =	swait.ge [sflag:s23], s21  }
0x17: {  	s4 =	ssub.s32 $0x0, s21;
	[sflag:s23] =	ssyncset.done $0x0  }
0x18: {  	[sflag:s23] =	ssyncadd.s32 s4;
	_ =	sdelay $0x1  }
0x19: {  	s24 =	simm.s32 $0x1B8B  }
0x1a: {  	_ =	swait.ge [sflag:s24], $0x1  }
0x1b: {  	[sflag:s24] =	ssyncset.done $0x0  }
0x1c: {  	s26 =	simm.s32 $0x1B8E;
	s25 =	sld [smem:$0x3FFE];
	[sflag:s24] =	ssyncadd.s32 $0xFFFFFFFF  }
0x1d: {  	s27 =	simm.s32 $execute0_lowered;
	[smem:$0x3FD2] =	sst s26  }
0x1e: {  	s5 =	sshll.u32 s27, $0x1;
	_ =	strace $0x80000049;
	[dreg:$0x1] =	wrdreg $0xFFFFFFFF  }
0x1f: {  	s28 =	simm.s32 $_size_execute0_lowered;
	s3 =	sadd.s32 s3, s5;
	[dreg:$0x0] =	wrdreg $0x0  }
0x20: {  	s5 =	sshll.u32 s28, $0x1;
	[dreg:$0x2] =	wrdreg s3  }
0x21: {  	[dreg:$0x3] =	wrdreg s5  }
0x22: {  	[dreg:$0x4] =	wrdreg $0xC0  }
0x23: {  	_ =	task [dreg:s7], $0x5FFFF  }
0x24: {  	[dreg:$0x1] =	wrdreg $0xFFFFFFFF  }
0x25: {  	[dreg:$0x0] =	wrdreg $0x60  }
0x26: {  	[dreg:$0x2] =	wrdreg s25  }
0x27: {  	[dreg:$0x3] =	wrdreg s2  }
0x28: {  	[dreg:$0x4] =	wrdreg $0x9  }
0x29: {  	_ =	task.clear_ibuf [dreg:s7], $0x5FFFF;
	_ =	strace $0x90000049  }
0x2a: {  	s29 =	simm.s32 $0x9;
	_ =	strace $0x8000004B  }
0x2b: {  	_ =	swait.ge [sflag:s29], $0x1  }
0x2c: {  	[sflag:s29] =	ssyncadd.s32 $0xFFFFFFFF  }
0x2d: {  	_ =	strace $0x9000004B  }
0x2e: {  	_ =	sfence  }
0x2f: {  	s30 =	sld [smem:$0x0];
	_ =	sdelay $0x2  }
0x30: {  	s31 =	sshll.u32 s1, $0xD;
	s1 =	sshrl.u32 s1, $0x2  }
0x31: {  	s3 =	sand.u32 $0x4000, s31;
	s1 =	sadd.s32 s1, s30  }
0x32: {  	s0 =	sor.u32 s3, s0;
	s1 =	sshll.u32 s1, $0x11  }
0x33: {  	s0 =	sor.u32 s1, s0  }
0x34: {  	s0 =	sadd.s32 $0x8F2B, s0  }
0x35: {  	[sflag:s0] =	ssyncadd.remote.s32 $0x1  }
0x36: {  	_ =	sfence.sel $0xFFFF  }
0x37: {  	[dreg:$0x0] =	wrdreg $0xFFFFFFFF;
	(pc) =	sbr.abs _section_cstart, $3  }
0x38: {  	[dreg:$0x1] =	wrdreg $0xFFFFFFFF  }
0x39: {  	_ =	task.clear_ibuf [dreg:s7], $0x2FFFF;
	_ =	strace $0x9FFFFFFF  }
0x3a: {  	(tm) =	ssettm $0x7FFFFFFF  }
0x3b: {  	_ =	shalt  }
tec
execute0_lowered:
.L_overlay_start_1:
0x0: {  	(tag) =	ssettag $0x1  }
0x1: {  	s0 =	srdreg.scid  }
0x2: {  	s1 =	sshll.u32 s0, $0x4  }
0x3: {  	s0 =	stileid.u32;
	s1 =	sand.u32 $0x10, s1  }
0x4: {  	s1 =	sor.u32 s0, s1  }
0x5: {  	s6 =	rddreg [dreg:$0x0];
	s4 =	simm.s32 $0x1;
	s2 =	sshll.u32 s1, $0x7  }
0x6: {  	s7 =	simm.s32 $0x2;
	s12 =	simm.s32 $0x0;
	s1 =	ssub.s32 $0x4000, s2  }
0x7: {  	s8 =	simm.s32 $0x20000;
	s13 =	simm.s32 $0x0;
	s3 =	sand.u32 $0xF80, s1  }
0x8: {  	s9 =	simm.s32 $0x0;
	s5 =	sshrl.u32 s1, $0xC;
	p0 =	sne.s32 s3, $0x0  }
.Ltmp0:
0x9: {  	s1 =	rddreg [dreg:$0x2];
	s4 =	simm.s32 @!p0 $0x0;
	(pc) =	sbr.rel .LBB1_1-.Ltmp0, $4  }
0xa: {  	s11 =	simm.s32 $0x0;
	s3 =	rddreg [dreg:$0x1];
	s5 =	sadd.s32 s4, s5  }
0xb: {  	_ =	strace $0x8000004A;
	s4 =	simm.s32 $0x1;
	s5 =	smul.u32 $0xC8, s5  }
0xc: {  	s6 =	sadd.s32 $0xC00, s6;
	s10 =	smov.u32 s2;
	[sflag:s4] =	ssyncpa.u1 $0x0  }
0xd: {  	p0 =	por $0x0, $0x0;
	[sflag:s7] =	ssyncpa.u1 $0x0;
	s7 =	sor.u32 $0x1, s5  }
.LBB1_4:
0xe: {  	s16 =	sshll.u32 s13, $0x3;
	s17 =	sand.u32 $0x78, s13  }
0xf: {  	s30 =	sand.u32 $0x7800, s13;
	s12 =	sshll.u32 s12, $0xF;
	s16 =	sand.u32 $0x3C00, s16  }
0x10: {  	s31 =	sand.u32 $0x7, s13;
	s16 =	sor.u32 s17, s16;
	s17 =	sadd.s32 s3, s30  }
0x11: {  	s13 =	sshll.u32 s31, $0x12;
	s16 =	sshrl.u32 s16, $0x3;
	s12 =	sadd.s32 s12, s17  }
0x12: {  	[tilespmem:s15+$0x0 ss:$0x81] =	vst.msk $0xffff, v1;
	s13 =	sor.u32 $0x400, s13;
	s12 =	sadd.s32 s16, s12  }
0x13: {  	[hbm4b:s12+s13] =	stream.strided.scatter [tilespmem:s14], [sflag:$0x2], $0x800, s8, s13, $0x20;
	[tilespmem:$0x2020] =	vst v63  }
.LBB1_5:
0x14: {  	s14 =	sadd.s32 $0x1, s9  }
0x15: {  	s12 =	sadd.s32 $0x1000, s10;
	s16 =	smov.u32 s10;
	p2 =	sgt.s32 s14, $0xC7  }
0x16: {  	s16 =	smov.u32 @p2 s12  }
0x17: {  	s14 =	simm.s32 @p2 $0x0;
	p2 =	sgt.s32 s16, $0x3FFF  }
0x18: {  	s16 =	smov.u32 @p2 s2;
	p2 =	sne.s32 s11, s7  }
.Ltmp1:
0x19: {  	p1 =	slt.u32 s11, $0x2;
	(pc) =	sbr.rel @!p2 .LBB1_6-.Ltmp1, $4  }
0x1a: {  	s15 =	simm.s32 @!p1 $0x2  }
0x1b: {  	s13 =	smov.u32 s10;
	p0 =	por !p0, !p0;
	_ =	swait.ge @!p1 [sflag:s15], $0x800  }
0x1c: {  	s12 =	smov.u32 s9;
	[sflag:s15] =	ssyncset.done @!p1 $0x0;
	s9 =	smov.u32 s14  }
0x1d: {  	s11 =	sadd.s32 $0x1, s11;
	[sflag:s15] =	ssyncadd.s32 @!p1 $0xFFFFF800;
	s10 =	smov.u32 s16  }
.LBB1_1:
0x1e: {  	p1 =	sge.u32 s11, s5  }
0x1f: {  	s14 =	sand.u32 @!p1 $0x1FFFFFF, s9  }
0x20: {  	s15 =	smulhi.u32 @!p1 $0x147AE15, s14;
	_ =	sdelay $0x1  }
0x21: {  	s15 =	smul.u32 @!p1 $0xC8, s15  }
0x22: {  	s16 =	sxor.u32 @!p1 $0xFFFFFFFF, s11;
	s17 =	smul.u32 @!p1 $0xC80, s10  }
0x23: {  	s31 =	sadd.s32 $0xFFFFFFFF, s11;
	s16 =	sshll.u32 @!p1 s16, $0xB;
	s14 =	ssub.s32 @!p1 s14, s15  }
0x24: {  	s15 =	sand.u32 @!p1 $0x800, s16;
	s16 =	sadd.s32 @!p1 s6, s17;
	s14 =	sshll.u32 @!p1 s14, $0x4  }
0x25: {  	s17 =	simm.s32 @!p1 $0x6400;
	s14 =	sadd.s32 @!p1 s14, s16;
	s16 =	simm.s32 @!p1 $0x10  }
0x26: {  	[tilespmem:s15], [sflag:$0x1] =	stream.strided.gather @!p1 [hbm4b:s14+s16], $0x800, s17, s16, $0x38;
	[tilespmem:$0x2020] =	vst v63  }
0x27: {  	p1 =	sge.u32 s31, s5  }
.Ltmp2:
0x28: {  	_ = 	snop;
	(pc) =	sbr.rel @p1 .LBB1_5-.Ltmp2, $1  }
0x29: {  	_ =	sdelay $0x3  }
0x2a: {  	s14 =	simm.s32 $0x1  }
0x2b: {  	s14 =	simm.s32 @!p0 $0x0  }
0x2c: {  	s15 =	sshll.u32 s14, $0xB  }
0x2d: {  	v0 =	vmov s15;
	_ =	sdelay $0x1  }
0x2e: {  	_ =	swait.ge [sflag:s4], $0x800  }
0x2f: {  	s31 =	sand.u32 $0x1, s11;
	[sflag:s4] =	ssyncset.done $0x0  }
0x30: {  	s17 =	simm.s32 $0x0;
	s14 =	smul.u32 $0x2040, s14;
	[sflag:s4] =	ssyncadd.s32 $0xFFFFF800  }
0x31: {  	s15 =	smul.u32 $0x2040, s31;
	v1 =	vld.idx.msk [tilespmem:v0+s17+$0x0 ss:$0x1], $0xffff;
	_ =	sdelay $0x1  }
0x32: {  	s14 =	sshrl.u32 s14, $0x2;
	s16 =	sshrl.u32 s15, $0x2  }
0x33: {  	s15 =	sor.u32 $0x1000, s14;
	s14 =	sor.u32 $0x1000, s16;
	s16 =	simm.s32 $0x40  }
.LBB1_3:
0x34: {  	s17 =	sshra.s32 s16, $0x2;
	p1 =	sne.s32 s16, $0x1FC0;
	s16 =	sadd.s32 $0x40, s16  }
.Ltmp3:
0x35: {  	[tilespmem:s15+$0x0 ss:$0x81] =	vst.msk $0xffff, v1;
	v1 =	vld.idx.msk [tilespmem:v0+s17+$0x0 ss:$0x1], $0xffff;
	(pc) =	sbr.rel @p1 .LBB1_3-.Ltmp3, $2  }
0x36: {  	_ =	sdelay $0x2  }
0x37: {  	s15 =	sadd.s32 $0x1, s15  }
.Ltmp4:
0x38: {  	_ = 	snop;
	(pc) =	sbr.rel .LBB1_4-.Ltmp4, $1  }
0x39: {  	_ =	sdelay $0x3  }
.LBB1_6:
0x3a: {  	_ =	sfence.sel $0x180000  }
0x3b: {  	s2 =	simm.s32 $0x1;
	[bflag:$0x0] =	sbarrier.arrive $0xFFFF  }
0x3c: {  	s31 =	simm.s32 $0x2;
	[sflag:s2] =	ssyncpa.u1 $0x1  }
0x3d: {  	[sflag:s31] =	ssyncpa.u1 $0x1  }
0x3e: {  	p0 =	sne.s32 s0, $0x0;
	_ =	strace $0x9000004A  }
0x3f: {  	s0 =	sadd.s32 @!p0 $0x100000, s1;
	[bflag:$0x2] =	sbarrier.arrive $0xFFFF  }
0x40: {  	[sflag:s0] =	ssyncadd.tile.s32 @!p0 $0x1;
	_ =	shalt  }
.Lfunc_end1:
_tile_overlayer_lowered:
.L_overlay_start_2:
0x41: {  	(tag) =	ssettag $0x2  }
0x42: {  	s0 =	rddreg [dreg:$0x0];
	s2 =	stileid.u32  }
0x43: {  	s1 =	rddreg [dreg:$0x1];
	p0 =	sne.s32 s2, $0x0  }
0x44: {  	s3 =	rddreg [dreg:$0x2];
	[bflag:$0x3] =	sbarrier.arrive $0xFFFF;
	s2 =	simm.s32 @!p0 $0x1C01  }
0x45: {  	[timem:s3], [sflag:s2] =	dma.local @!p0 [hbm:s0], s1  }
0x46: {  	s0 =	simm.s32 @!p0 $0x1  }
0x47: {  	_ =	swait.ge @!p0 [sflag:s0], s1  }
0x48: {  	s1 =	ssub.s32 @!p0 $0x0, s1;
	[sflag:s0] =	ssyncset.done @!p0 $0x0  }
0x49: {  	[sflag:s0] =	ssyncadd.s32 @!p0 s1  }
0x4a: {  	[bflag:$0x3] =	sbarrier.arrive $0xFFFF  }
0x4b: {  	_ =	shalt  }

</sc_bundles>
